<compile_context>
chip_gen: v7x
topology: tpu7x:2x2x1
jax: 0.10.2.dev20260603
libtpu: 0.0.44.dev20260713+nightly
codegen_flags: <defaults>
</compile_context>

<pallas_src>
import functools

import jax
import jax.numpy as jnp
from jax import lax
from jax.experimental import pallas as pl
from jax.experimental.pallas import tpu as pltpu
from jax.experimental.pallas import tpu_sc as plsc


def _start_gather(tab_hbm, idx_ref, rows_v, sem):
    pltpu.make_async_copy(tab_hbm.at[idx_ref], rows_v, sem).start()


def _wait_gather(tab_hbm, idx_ref, rows_v, sem):
    pltpu.make_async_copy(tab_hbm.at[idx_ref], rows_v, sem).wait()


def _make_kernel(B, H, V, D):
    info = plsc.get_sparse_core_info()
    NC, NS, L = info.num_cores, info.num_subcores, info.num_lanes
    NW = NC * NS
    BPW = B // NW

    assert D == 2 * L
    UR = 8
    assert H % UR == 0
    NFULL = H // L
    TAIL = H - NFULL * L

    mesh = plsc.VectorSubcoreMesh(core_axis_name="c", subcore_axis_name="s")

    @functools.partial(
        pl.kernel,
        mesh=mesh,
        out_type=jax.ShapeDtypeStruct((B, D), jnp.float32),
        compiler_params=pltpu.CompilerParams(
            needs_layout_passes=False, use_tc_tiling_on_sc=False
        ),
        scratch_types=[
            pltpu.VMEM((BPW, H), jnp.int32),
            pltpu.VMEM((H, D), jnp.float32),
            pltpu.VMEM((H, D), jnp.float32),
            pltpu.VMEM((BPW, D), jnp.float32),
            pltpu.SemaphoreType.DMA,
            pltpu.SemaphoreType.DMA,
        ],
    )
    def k(x_hbm, tab_hbm, out_hbm, idx_v, rows0, rows1, out_v, sem0, sem1):
        wid = lax.axis_index("s") * NC + lax.axis_index("c")
        base = wid * BPW
        pltpu.sync_copy(x_hbm.at[pl.ds(base, BPW)], idx_v)

        lane = lax.iota(jnp.int32, L)
        zeros = jnp.full((L,), 0.0, jnp.float32)
        ones = jnp.full((L,), 1.0, jnp.float32)
        bufs = ((rows0, sem0), (rows1, sem1))

        _start_gather(tab_hbm, idx_v.at[0], rows0, sem0)
        _start_gather(tab_hbm, idx_v.at[1], rows1, sem1)

        def pair_body(i, carry):
            for bsel in range(2):
                rv, sem = bufs[bsel]
                r = 2 * i + bsel

                cntv = jnp.zeros((L,), jnp.int32)
                for c in range(NFULL):
                    ch = idx_v[r, pl.ds(c * L, L)]
                    cntv = cntv + plsc.all_reduce_population_count(ch != 0)
                if TAIL:
                    cht = idx_v[r, pl.ds(H - L, L)]
                    keep = (cht != 0) & (lane >= (L - TAIL))
                    cntv = cntv + plsc.all_reduce_population_count(keep)
                rec = ones / cntv.astype(jnp.float32)

                _wait_gather(tab_hbm, idx_v.at[r], rv, sem)

                def acc_body(j, acc):
                    a0, a1 = acc
                    o = j * UR
                    v0 = [rv[o + t, pl.ds(0, L)] for t in range(UR)]
                    v1 = [rv[o + t, pl.ds(L, L)] for t in range(UR)]

                    def tree(vs):
                        while len(vs) > 1:
                            nxt = [
                                vs[t] + vs[t + 1]
                                for t in range(0, len(vs) - 1, 2)
                            ]
                            if len(vs) % 2:
                                nxt.append(vs[-1])
                            vs = nxt
                        return vs[0]

                    return a0 + tree(v0), a1 + tree(v1)

                a0, a1 = lax.fori_loop(0, H // UR, acc_body, (zeros, zeros))

                nxt = r + 2

                @pl.when(nxt < BPW)
                def _():
                    _start_gather(tab_hbm, idx_v.at[nxt], rv, sem)

                out_v[r, pl.ds(0, L)] = a0 * rec
                out_v[r, pl.ds(L, L)] = a1 * rec
            return carry

        lax.fori_loop(0, BPW // 2, pair_body, 0)
        pltpu.sync_copy(out_v, out_hbm.at[pl.ds(base, BPW)])

    return k


def kernel(x, table):
    B, H = x.shape
    V, D = table.shape
    return _make_kernel(B, H, V, D)(x, table)

# --- scband reference (transcript-rebuilt; emitter-appended) ---
"""Pipeline reference for scband-avg-embedding-layer-8022998909541 (READ-ONLY COPY).

The authoritative reference and input builder live on the scoring server;
editing this copy changes nothing except your own understanding.
"""

import jax, jax.numpy as jnp
import numpy as np

VOCAB = 1000000
EMBED = 32
BATCH = 4096
HIST = 200

def setup_inputs(seed: int = 0) -> dict:
    key = jax.random.key(seed)
    k_idx, k_tab = jax.random.split(key)
    x = jax.random.randint(k_idx, (BATCH, HIST), 0, VOCAB, dtype=jnp.int64 if jax.config.jax_enable_x64 else jnp.int32).astype(jnp.int32)
    table = jax.random.normal(k_tab, (VOCAB, EMBED), dtype=jnp.float32)
    # padding_idx=0: zero out row 0 like nn.Embedding(padding_idx=0)
    table = table.at[0].set(0.0)
    return {"x": x, "table": table}

def reference(x, table):
    # out = self.embed_layer(x)
    out = jnp.take(table, x, axis=0)              # [B, L, D] gather
    # mask = x != 0
    mask = (x != 0)
    # mean_embed = (out * mask.unsqueeze(-1)).sum(1) / mask.sum(1, keepdim=True)
    masked = out * mask[..., None].astype(out.dtype)
    mean_embed = masked.sum(axis=1) / mask.sum(axis=1, keepdims=True).astype(out.dtype)
    return mean_embed

if __name__ == "__main__":
    import jax
    _d = setup_inputs()
    print(jax.jit(kernel)(*tuple(_d.values())))

</pallas_src>

<mosaic_0001>
#map = affine_map<(d0, d1) -> (0, 0)>
module attributes {stable_mosaic.version = 14 : i64} {
  func.func @k(%arg0: i32, %arg1: i32, %arg2: memref<4096x200xi32, #tpu.memory_space<hbm>>, %arg3: memref<1000000x32xf32, #tpu.memory_space<hbm>>, %arg4: memref<4096x32xf32, #tpu.memory_space<hbm>>, %arg5: memref<128x200xi32, #tpu.memory_space<vmem>>, %arg6: memref<200x32xf32, #tpu.memory_space<vmem>>, %arg7: memref<200x32xf32, #tpu.memory_space<vmem>>, %arg8: memref<128x32xf32, #tpu.memory_space<vmem>>, %arg9: memref<!tpu.dma_semaphore, #tpu.memory_space<semaphore_mem>>, %arg10: memref<!tpu.dma_semaphore, #tpu.memory_space<semaphore_mem>>) attributes {dimension_semantics = [#tpu.dimension_semantics<core_parallel>, #tpu.dimension_semantics<subcore_parallel>], iteration_bounds = array<i64: 2, 16>, scalar_prefetch = 0 : i64, scratch_operands = 6 : i64, tpu.core_type = #tpu.core_type<sc_vector_subcore>, window_params = [{transform_indices = #map}, {transform_indices = #map}, {transform_indices = #map}]} {
    %mul3A = arith.constant 2 : i32
    %mul3A_0 = arith.muli %arg1, %mul3A : i32
    %add3A = arith.addi %mul3A_0, %arg0 : i32
    %mul3A_1 = arith.constant 128 : i32
    %mul3A_2 = arith.muli %add3A, %mul3A_1 : i32
    "tpu.region"() ({
      %run_scoped3A = tpu.sem_alloc : memref<!tpu.dma_semaphore, #tpu.memory_space<semaphore_mem>>
      %dma_start3A_24 = arith.constant 0 : i32
      %dma_start3A_25 = tpu.memref_slice %arg2[%mul3A_2, %dma_start3A_24] : memref<4096x200xi32, #tpu.memory_space<hbm>> -> memref<128x200xi32, #tpu.memory_space<hbm>>
      %dma_start3A_26 = arith.constant 0 : i32
      %dma_start3A_27 = tpu.memref_slice %arg2[%mul3A_2, %dma_start3A_26] : memref<4096x200xi32, #tpu.memory_space<hbm>> -> memref<128x200xi32, #tpu.memory_space<hbm>>
      tpu.enqueue_dma source(%dma_start3A_27 : memref<128x200xi32, #tpu.memory_space<hbm>>) target(%arg5 : memref<128x200xi32, #tpu.memory_space<vmem>>) target_semaphore(%run_scoped3A : memref<!tpu.dma_semaphore, #tpu.memory_space<semaphore_mem>>)
      %dma_wait3A = arith.constant 0 : i32
      %dma_wait3A_28 = tpu.memref_slice %arg2[%mul3A_2, %dma_wait3A] : memref<4096x200xi32, #tpu.memory_space<hbm>> -> memref<128x200xi32, #tpu.memory_space<hbm>>
      %dma_wait3A_29 = arith.constant 0 : i32
      %dma_wait3A_30 = tpu.memref_slice %arg2[%mul3A_2, %dma_wait3A_29] : memref<4096x200xi32, #tpu.memory_space<hbm>> -> memref<128x200xi32, #tpu.memory_space<hbm>>
      tpu.wait_dma2 semaphore(%run_scoped3A : memref<!tpu.dma_semaphore, #tpu.memory_space<semaphore_mem>>) src(%dma_wait3A_30 : memref<128x200xi32, #tpu.memory_space<hbm>>) dst(%arg5 : memref<128x200xi32, #tpu.memory_space<vmem>>)
      tpu.yield
    }) : () -> ()
    %iota3A = tpu.iota {dimensions = array<i32: 0>} : vector<16xi32>
    %broadcast_in_dim3A = arith.constant 0.000000e+00 : f32
    %broadcast_in_dim3A_3 = vector.broadcast %broadcast_in_dim3A : f32 to vector<16xf32>
    %broadcast_in_dim3A_4 = arith.constant 1.000000e+00 : f32
    %broadcast_in_dim3A_5 = vector.broadcast %broadcast_in_dim3A_4 : f32 to vector<16xf32>
    %dma_start3A = arith.constant 0 : i32
    %dma_start3A_6 = arith.constant 0 : i32
    %dma_start3A_7 = tpu.memref_slice %arg5[%dma_start3A, %dma_start3A_6] : memref<128x200xi32, #tpu.memory_space<vmem>> -> memref<1x200xi32, #tpu.memory_space<vmem>>
    %dma_start3A_8 = tpu.memref_squeeze %dma_start3A_7 : memref<1x200xi32, #tpu.memory_space<vmem>> -> memref<200xi32, #tpu.memory_space<vmem>>
    %dma_start3A_9 = arith.constant 0 : i32
    %dma_start3A_10 = arith.constant 0 : i32
    %dma_start3A_11 = tpu.memref_slice %arg3[%dma_start3A_9, %dma_start3A_10] : memref<1000000x32xf32, #tpu.memory_space<hbm>> -> memref<1000000x32xf32, #tpu.memory_space<hbm>>
    tpu.enqueue_indirect_dma source(%dma_start3A_11 : memref<1000000x32xf32, #tpu.memory_space<hbm>>) target(%arg6 : memref<200x32xf32, #tpu.memory_space<vmem>>) offsets(%dma_start3A_8 : memref<200xi32, #tpu.memory_space<vmem>>) semaphore(%arg9 : memref<!tpu.dma_semaphore, #tpu.memory_space<semaphore_mem>>)
    %dma_start3A_12 = arith.constant 1 : i32
    %dma_start3A_13 = arith.constant 0 : i32
    %dma_start3A_14 = tpu.memref_slice %arg5[%dma_start3A_12, %dma_start3A_13] : memref<128x200xi32, #tpu.memory_space<vmem>> -> memref<1x200xi32, #tpu.memory_space<vmem>>
    %dma_start3A_15 = tpu.memref_squeeze %dma_start3A_14 : memref<1x200xi32, #tpu.memory_space<vmem>> -> memref<200xi32, #tpu.memory_space<vmem>>
    %dma_start3A_16 = arith.constant 0 : i32
    %dma_start3A_17 = arith.constant 0 : i32
    %dma_start3A_18 = tpu.memref_slice %arg3[%dma_start3A_16, %dma_start3A_17] : memref<1000000x32xf32, #tpu.memory_space<hbm>> -> memref<1000000x32xf32, #tpu.memory_space<hbm>>
    tpu.enqueue_indirect_dma source(%dma_start3A_18 : memref<1000000x32xf32, #tpu.memory_space<hbm>>) target(%arg7 : memref<200x32xf32, #tpu.memory_space<vmem>>) offsets(%dma_start3A_15 : memref<200xi32, #tpu.memory_space<vmem>>) semaphore(%arg10 : memref<!tpu.dma_semaphore, #tpu.memory_space<semaphore_mem>>)
    %scan3A = arith.constant 0 : i32
    %scan3A_19 = arith.constant 0 : i32
    %scan3A_20 = arith.constant 64 : i32
    %scan3A_21 = arith.addi %scan3A_19, %scan3A_20 : i32
    %scan3A_22 = arith.constant 1 : i32
    scf.for %scan3A_24 = %scan3A_19 to %scan3A_21 step %scan3A_22  : i32 {
      %mul3A_25 = arith.constant 2 : i32
      %mul3A_26 = arith.muli %mul3A_25, %scan3A_24 : i32
      %add3A_27 = arith.constant 0 : i32
      %add3A_28 = arith.addi %mul3A_26, %add3A_27 : i32
      %broadcast_in_dim3A_29 = arith.constant 0 : i32
      %broadcast_in_dim3A_30 = vector.broadcast %broadcast_in_dim3A_29 : i32 to vector<16xi32>
      %get3A = arith.index_cast %add3A_28 : i32 to index
      %get3A_31 = arith.constant 0 : index
      %get3A_32 = tpu.vector_load %arg5[%get3A, %get3A_31] {strides = array<i32>} : memref<128x200xi32, #tpu.memory_space<vmem>>, vector<16xi32>,
      %ne3A = arith.constant 0 : i32
      %ne3A_33 = vector.broadcast %ne3A : i32 to vector<16xi32>
      %ne3A_34 = arith.cmpi ne, %get3A_32, %ne3A_33 : vector<16xi32>
      %all_reduce_population_count3A = tpu.all_reduce %ne3A_34 {dim = 0 : i64, kind = #tpu.reduction_kind<sum>} : vector<16xi1> -> vector<16xi32>
      %add3A_35 = arith.addi %broadcast_in_dim3A_30, %all_reduce_population_count3A : vector<16xi32>
      %get3A_36 = arith.index_cast %add3A_28 : i32 to index
      %get3A_37 = arith.constant 16 : index
      %get3A_38 = tpu.vector_load %arg5[%get3A_36, %get3A_37] {strides = array<i32>} : memref<128x200xi32, #tpu.memory_space<vmem>>, vector<16xi32>,
      %ne3A_39 = arith.constant 0 : i32
      %ne3A_40 = vector.broadcast %ne3A_39 : i32 to vector<16xi32>
      %ne3A_41 = arith.cmpi ne, %get3A_38, %ne3A_40 : vector<16xi32>
      %all_reduce_population_count3A_42 = tpu.all_reduce %ne3A_41 {dim = 0 : i64, kind = #tpu.reduction_kind<sum>} : vector<16xi1> -> vector<16xi32>
      %add3A_43 = arith.addi %add3A_35, %all_reduce_population_count3A_42 : vector<16xi32>
      %get3A_44 = arith.index_cast %add3A_28 : i32 to index
      %get3A_45 = arith.constant 32 : index
      %get3A_46 = tpu.vector_load %arg5[%get3A_44, %get3A_45] {strides = array<i32>} : memref<128x200xi32, #tpu.memory_space<vmem>>, vector<16xi32>,
      %ne3A_47 = arith.constant 0 : i32
      %ne3A_48 = vector.broadcast %ne3A_47 : i32 to vector<16xi32>
      %ne3A_49 = arith.cmpi ne, %get3A_46, %ne3A_48 : vector<16xi32>
      %all_reduce_population_count3A_50 = tpu.all_reduce %ne3A_49 {dim = 0 : i64, kind = #tpu.reduction_kind<sum>} : vector<16xi1> -> vector<16xi32>
      %add3A_51 = arith.addi %add3A_43, %all_reduce_population_count3A_50 : vector<16xi32>
      %get3A_52 = arith.index_cast %add3A_28 : i32 to index
      %get3A_53 = arith.constant 48 : index
      %get3A_54 = tpu.vector_load %arg5[%get3A_52, %get3A_53] {strides = array<i32>} : memref<128x200xi32, #tpu.memory_space<vmem>>, vector<16xi32>,
      %ne3A_55 = arith.constant 0 : i32
      %ne3A_56 = vector.broadcast %ne3A_55 : i32 to vector<16xi32>
      %ne3A_57 = arith.cmpi ne, %get3A_54, %ne3A_56 : vector<16xi32>
      %all_reduce_population_count3A_58 = tpu.all_reduce %ne3A_57 {dim = 0 : i64, kind = #tpu.reduction_kind<sum>} : vector<16xi1> -> vector<16xi32>
      %add3A_59 = arith.addi %add3A_51, %all_reduce_population_count3A_58 : vector<16xi32>
      %get3A_60 = arith.index_cast %add3A_28 : i32 to index
      %get3A_61 = arith.constant 64 : index
      %get3A_62 = tpu.vector_load %arg5[%get3A_60, %get3A_61] {strides = array<i32>} : memref<128x200xi32, #tpu.memory_space<vmem>>, vector<16xi32>,
      %ne3A_63 = arith.constant 0 : i32
      %ne3A_64 = vector.broadcast %ne3A_63 : i32 to vector<16xi32>
      %ne3A_65 = arith.cmpi ne, %get3A_62, %ne3A_64 : vector<16xi32>
      %all_reduce_population_count3A_66 = tpu.all_reduce %ne3A_65 {dim = 0 : i64, kind = #tpu.reduction_kind<sum>} : vector<16xi1> -> vector<16xi32>
      %add3A_67 = arith.addi %add3A_59, %all_reduce_population_count3A_66 : vector<16xi32>
      %get3A_68 = arith.index_cast %add3A_28 : i32 to index
      %get3A_69 = arith.constant 80 : index
      %get3A_70 = tpu.vector_load %arg5[%get3A_68, %get3A_69] {strides = array<i32>} : memref<128x200xi32, #tpu.memory_space<vmem>>, vector<16xi32>,
      %ne3A_71 = arith.constant 0 : i32
      %ne3A_72 = vector.broadcast %ne3A_71 : i32 to vector<16xi32>
      %ne3A_73 = arith.cmpi ne, %get3A_70, %ne3A_72 : vector<16xi32>
      %all_reduce_population_count3A_74 = tpu.all_reduce %ne3A_73 {dim = 0 : i64, kind = #tpu.reduction_kind<sum>} : vector<16xi1> -> vector<16xi32>
      %add3A_75 = arith.addi %add3A_67, %all_reduce_population_count3A_74 : vector<16xi32>
      %get3A_76 = arith.index_cast %add3A_28 : i32 to index
      %get3A_77 = arith.constant 96 : index
      %get3A_78 = tpu.vector_load %arg5[%get3A_76, %get3A_77] {strides = array<i32>} : memref<128x200xi32, #tpu.memory_space<vmem>>, vector<16xi32>,
      %ne3A_79 = arith.constant 0 : i32
      %ne3A_80 = vector.broadcast %ne3A_79 : i32 to vector<16xi32>
      %ne3A_81 = arith.cmpi ne, %get3A_78, %ne3A_80 : vector<16xi32>
      %all_reduce_population_count3A_82 = tpu.all_reduce %ne3A_81 {dim = 0 : i64, kind = #tpu.reduction_kind<sum>} : vector<16xi1> -> vector<16xi32>
      %add3A_83 = arith.addi %add3A_75, %all_reduce_population_count3A_82 : vector<16xi32>
      %get3A_84 = arith.index_cast %add3A_28 : i32 to index
      %get3A_85 = arith.constant 112 : index
      %get3A_86 = tpu.vector_load %arg5[%get3A_84, %get3A_85] {strides = array<i32>} : memref<128x200xi32, #tpu.memory_space<vmem>>, vector<16xi32>,
      %ne3A_87 = arith.constant 0 : i32
      %ne3A_88 = vector.broadcast %ne3A_87 : i32 to vector<16xi32>
      %ne3A_89 = arith.cmpi ne, %get3A_86, %ne3A_88 : vector<16xi32>
      %all_reduce_population_count3A_90 = tpu.all_reduce %ne3A_89 {dim = 0 : i64, kind = #tpu.reduction_kind<sum>} : vector<16xi1> -> vector<16xi32>
      %add3A_91 = arith.addi %add3A_83, %all_reduce_population_count3A_90 : vector<16xi32>
      %get3A_92 = arith.index_cast %add3A_28 : i32 to index
      %get3A_93 = arith.constant 128 : index
      %get3A_94 = tpu.vector_load %arg5[%get3A_92, %get3A_93] {strides = array<i32>} : memref<128x200xi32, #tpu.memory_space<vmem>>, vector<16xi32>,
      %ne3A_95 = arith.constant 0 : i32
      %ne3A_96 = vector.broadcast %ne3A_95 : i32 to vector<16xi32>
      %ne3A_97 = arith.cmpi ne, %get3A_94, %ne3A_96 : vector<16xi32>
      %all_reduce_population_count3A_98 = tpu.all_reduce %ne3A_97 {dim = 0 : i64, kind = #tpu.reduction_kind<sum>} : vector<16xi1> -> vector<16xi32>
      %add3A_99 = arith.addi %add3A_91, %all_reduce_population_count3A_98 : vector<16xi32>
      %get3A_100 = arith.index_cast %add3A_28 : i32 to index
      %get3A_101 = arith.constant 144 : index
      %get3A_102 = tpu.vector_load %arg5[%get3A_100, %get3A_101] {strides = array<i32>} : memref<128x200xi32, #tpu.memory_space<vmem>>, vector<16xi32>,
      %ne3A_103 = arith.constant 0 : i32
      %ne3A_104 = vector.broadcast %ne3A_103 : i32 to vector<16xi32>
      %ne3A_105 = arith.cmpi ne, %get3A_102, %ne3A_104 : vector<16xi32>
      %all_reduce_population_count3A_106 = tpu.all_reduce %ne3A_105 {dim = 0 : i64, kind = #tpu.reduction_kind<sum>} : vector<16xi1> -> vector<16xi32>
      %add3A_107 = arith.addi %add3A_99, %all_reduce_population_count3A_106 : vector<16xi32>
      %get3A_108 = arith.index_cast %add3A_28 : i32 to index
      %get3A_109 = arith.constant 160 : index
      %get3A_110 = tpu.vector_load %arg5[%get3A_108, %get3A_109] {strides = array<i32>} : memref<128x200xi32, #tpu.memory_space<vmem>>, vector<16xi32>,
      %ne3A_111 = arith.constant 0 : i32
      %ne3A_112 = vector.broadcast %ne3A_111 : i32 to vector<16xi32>
      %ne3A_113 = arith.cmpi ne, %get3A_110, %ne3A_112 : vector<16xi32>
      %all_reduce_population_count3A_114 = tpu.all_reduce %ne3A_113 {dim = 0 : i64, kind = #tpu.reduction_kind<sum>} : vector<16xi1> -> vector<16xi32>
      %add3A_115 = arith.addi %add3A_107, %all_reduce_population_count3A_114 : vector<16xi32>
      %get3A_116 = arith.index_cast %add3A_28 : i32 to index
      %get3A_117 = arith.constant 176 : index
      %get3A_118 = tpu.vector_load %arg5[%get3A_116, %get3A_117] {strides = array<i32>} : memref<128x200xi32, #tpu.memory_space<vmem>>, vector<16xi32>,
      %ne3A_119 = arith.constant 0 : i32
      %ne3A_120 = vector.broadcast %ne3A_119 : i32 to vector<16xi32>
      %ne3A_121 = arith.cmpi ne, %get3A_118, %ne3A_120 : vector<16xi32>
      %all_reduce_population_count3A_122 = tpu.all_reduce %ne3A_121 {dim = 0 : i64, kind = #tpu.reduction_kind<sum>} : vector<16xi1> -> vector<16xi32>
      %add3A_123 = arith.addi %add3A_115, %all_reduce_population_count3A_122 : vector<16xi32>
      %get3A_124 = arith.index_cast %add3A_28 : i32 to index
      %get3A_125 = arith.constant 184 : index
      %get3A_126 = tpu.vector_load %arg5[%get3A_124, %get3A_125] {strides = array<i32>} : memref<128x200xi32, #tpu.memory_space<vmem>>, vector<16xi32>,
      %ne3A_127 = arith.constant 0 : i32
      %ne3A_128 = vector.broadcast %ne3A_127 : i32 to vector<16xi32>
      %ne3A_129 = arith.cmpi ne, %get3A_126, %ne3A_128 : vector<16xi32>
      %ge3A = arith.constant 8 : i32
      %ge3A_130 = vector.broadcast %ge3A : i32 to vector<16xi32>
      %ge3A_131 = arith.cmpi sge, %iota3A, %ge3A_130 : vector<16xi32>
      %and3A = arith.andi %ne3A_129, %ge3A_131 : vector<16xi1>
      %all_reduce_population_count3A_132 = tpu.all_reduce %and3A {dim = 0 : i64, kind = #tpu.reduction_kind<sum>} : vector<16xi1> -> vector<16xi32>
      %add3A_133 = arith.addi %add3A_123, %all_reduce_population_count3A_132 : vector<16xi32>
      %convert_element_type3A = arith.sitofp %add3A_133 : vector<16xi32> to vector<16xf32>
      %div3A = arith.divf %broadcast_in_dim3A_5, %convert_element_type3A : vector<16xf32>
      %dma_wait3A = arith.constant 0 : i32
      %dma_wait3A_134 = tpu.memref_slice %arg5[%add3A_28, %dma_wait3A] : memref<128x200xi32, #tpu.memory_space<vmem>> -> memref<1x200xi32, #tpu.memory_space<vmem>>
      %dma_wait3A_135 = tpu.memref_squeeze %dma_wait3A_134 : memref<1x200xi32, #tpu.memory_space<vmem>> -> memref<200xi32, #tpu.memory_space<vmem>>
      %dma_wait3A_136 = arith.constant 0 : i32
      %dma_wait3A_137 = arith.constant 0 : i32
      %dma_wait3A_138 = tpu.memref_slice %arg3[%dma_wait3A_136, %dma_wait3A_137] : memref<1000000x32xf32, #tpu.memory_space<hbm>> -> memref<1000000x32xf32, #tpu.memory_space<hbm>>
      tpu.wait_indirect_dma semaphore(%arg9 : memref<!tpu.dma_semaphore, #tpu.memory_space<semaphore_mem>>) src(%dma_wait3A_138 : memref<1000000x32xf32, #tpu.memory_space<hbm>>) dst(%arg6 : memref<200x32xf32, #tpu.memory_space<vmem>>)
      %scan3A_139 = arith.constant 0 : i32
      %scan3A_140 = arith.constant 25 : i32
      %scan3A_141 = arith.addi %scan3A_139, %scan3A_140 : i32
      %scan3A_142 = arith.constant 1 : i32
      %scan3A_143:2 = scf.for %scan3A_300 = %scan3A_139 to %scan3A_141 step %scan3A_142 iter_args(%scan3A_301 = %broadcast_in_dim3A_3, %scan3A_302 = %broadcast_in_dim3A_3) -> (vector<16xf32>, vector<16xf32>)  : i32 {
        %mul3A_303 = arith.constant 8 : i32
        %mul3A_304 = arith.muli %scan3A_300, %mul3A_303 : i32
        %add3A_305 = arith.constant 0 : i32
        %add3A_306 = arith.addi %mul3A_304, %add3A_305 : i32
        %get3A_307 = arith.index_cast %add3A_306 : i32 to index
        %get3A_308 = arith.constant 0 : index
        %get3A_309 = tpu.vector_load %arg6[%get3A_307, %get3A_308] {strides = array<i32>} : memref<200x32xf32, #tpu.memory_space<vmem>>, vector<16xf32>,
        %add3A_310 = arith.constant 1 : i32
        %add3A_311 = arith.addi %mul3A_304, %add3A_310 : i32
        %get3A_312 = arith.index_cast %add3A_311 : i32 to index
        %get3A_313 = arith.constant 0 : index
        %get3A_314 = tpu.vector_load %arg6[%get3A_312, %get3A_313] {strides = array<i32>} : memref<200x32xf32, #tpu.memory_space<vmem>>, vector<16xf32>,
        %add3A_315 = arith.constant 2 : i32
        %add3A_316 = arith.addi %mul3A_304, %add3A_315 : i32
        %get3A_317 = arith.index_cast %add3A_316 : i32 to index
        %get3A_318 = arith.constant 0 : index
        %get3A_319 = tpu.vector_load %arg6[%get3A_317, %get3A_318] {strides = array<i32>} : memref<200x32xf32, #tpu.memory_space<vmem>>, vector<16xf32>,
        %add3A_320 = arith.constant 3 : i32
        %add3A_321 = arith.addi %mul3A_304, %add3A_320 : i32
        %get3A_322 = arith.index_cast %add3A_321 : i32 to index
        %get3A_323 = arith.constant 0 : index
        %get3A_324 = tpu.vector_load %arg6[%get3A_322, %get3A_323] {strides = array<i32>} : memref<200x32xf32, #tpu.memory_space<vmem>>, vector<16xf32>,
        %add3A_325 = arith.constant 4 : i32
        %add3A_326 = arith.addi %mul3A_304, %add3A_325 : i32
        %get3A_327 = arith.index_cast %add3A_326 : i32 to index
        %get3A_328 = arith.constant 0 : index
        %get3A_329 = tpu.vector_load %arg6[%get3A_327, %get3A_328] {strides = array<i32>} : memref<200x32xf32, #tpu.memory_space<vmem>>, vector<16xf32>,
        %add3A_330 = arith.constant 5 : i32
        %add3A_331 = arith.addi %mul3A_304, %add3A_330 : i32
        %get3A_332 = arith.index_cast %add3A_331 : i32 to index
        %get3A_333 = arith.constant 0 : index
        %get3A_334 = tpu.vector_load %arg6[%get3A_332, %get3A_333] {strides = array<i32>} : memref<200x32xf32, #tpu.memory_space<vmem>>, vector<16xf32>,
        %add3A_335 = arith.constant 6 : i32
        %add3A_336 = arith.addi %mul3A_304, %add3A_335 : i32
        %get3A_337 = arith.index_cast %add3A_336 : i32 to index
        %get3A_338 = arith.constant 0 : index
        %get3A_339 = tpu.vector_load %arg6[%get3A_337, %get3A_338] {strides = array<i32>} : memref<200x32xf32, #tpu.memory_space<vmem>>, vector<16xf32>,
        %add3A_340 = arith.constant 7 : i32
        %add3A_341 = arith.addi %mul3A_304, %add3A_340 : i32
        %get3A_342 = arith.index_cast %add3A_341 : i32 to index
        %get3A_343 = arith.constant 0 : index
        %get3A_344 = tpu.vector_load %arg6[%get3A_342, %get3A_343] {strides = array<i32>} : memref<200x32xf32, #tpu.memory_space<vmem>>, vector<16xf32>,
        %add3A_345 = arith.constant 0 : i32
        %add3A_346 = arith.addi %mul3A_304, %add3A_345 : i32
        %get3A_347 = arith.index_cast %add3A_346 : i32 to index
        %get3A_348 = arith.constant 16 : index
        %get3A_349 = tpu.vector_load %arg6[%get3A_347, %get3A_348] {strides = array<i32>} : memref<200x32xf32, #tpu.memory_space<vmem>>, vector<16xf32>,
        %add3A_350 = arith.constant 1 : i32
        %add3A_351 = arith.addi %mul3A_304, %add3A_350 : i32
        %get3A_352 = arith.index_cast %add3A_351 : i32 to index
        %get3A_353 = arith.constant 16 : index
        %get3A_354 = tpu.vector_load %arg6[%get3A_352, %get3A_353] {strides = array<i32>} : memref<200x32xf32, #tpu.memory_space<vmem>>, vector<16xf32>,
        %add3A_355 = arith.constant 2 : i32
        %add3A_356 = arith.addi %mul3A_304, %add3A_355 : i32
        %get3A_357 = arith.index_cast %add3A_356 : i32 to index
        %get3A_358 = arith.constant 16 : index
        %get3A_359 = tpu.vector_load %arg6[%get3A_357, %get3A_358] {strides = array<i32>} : memref<200x32xf32, #tpu.memory_space<vmem>>, vector<16xf32>,
        %add3A_360 = arith.constant 3 : i32
        %add3A_361 = arith.addi %mul3A_304, %add3A_360 : i32
        %get3A_362 = arith.index_cast %add3A_361 : i32 to index
        %get3A_363 = arith.constant 16 : index
        %get3A_364 = tpu.vector_load %arg6[%get3A_362, %get3A_363] {strides = array<i32>} : memref<200x32xf32, #tpu.memory_space<vmem>>, vector<16xf32>,
        %add3A_365 = arith.constant 4 : i32
        %add3A_366 = arith.addi %mul3A_304, %add3A_365 : i32
        %get3A_367 = arith.index_cast %add3A_366 : i32 to index
        %get3A_368 = arith.constant 16 : index
        %get3A_369 = tpu.vector_load %arg6[%get3A_367, %get3A_368] {strides = array<i32>} : memref<200x32xf32, #tpu.memory_space<vmem>>, vector<16xf32>,
        %add3A_370 = arith.constant 5 : i32
        %add3A_371 = arith.addi %mul3A_304, %add3A_370 : i32
        %get3A_372 = arith.index_cast %add3A_371 : i32 to index
        %get3A_373 = arith.constant 16 : index
        %get3A_374 = tpu.vector_load %arg6[%get3A_372, %get3A_373] {strides = array<i32>} : memref<200x32xf32, #tpu.memory_space<vmem>>, vector<16xf32>,
        %add3A_375 = arith.constant 6 : i32
        %add3A_376 = arith.addi %mul3A_304, %add3A_375 : i32
        %get3A_377 = arith.index_cast %add3A_376 : i32 to index
        %get3A_378 = arith.constant 16 : index
        %get3A_379 = tpu.vector_load %arg6[%get3A_377, %get3A_378] {strides = array<i32>} : memref<200x32xf32, #tpu.memory_space<vmem>>, vector<16xf32>,
        %add3A_380 = arith.constant 7 : i32
        %add3A_381 = arith.addi %mul3A_304, %add3A_380 : i32
        %get3A_382 = arith.index_cast %add3A_381 : i32 to index
        %get3A_383 = arith.constant 16 : index
        %get3A_384 = tpu.vector_load %arg6[%get3A_382, %get3A_383] {strides = array<i32>} : memref<200x32xf32, #tpu.memory_space<vmem>>, vector<16xf32>,
        %add3A_385 = arith.addf %get3A_309, %get3A_314 : vector<16xf32>
        %add3A_386 = arith.addf %get3A_319, %get3A_324 : vector<16xf32>
        %add3A_387 = arith.addf %get3A_329, %get3A_334 : vector<16xf32>
        %add3A_388 = arith.addf %get3A_339, %get3A_344 : vector<16xf32>
        %add3A_389 = arith.addf %add3A_385, %add3A_386 : vector<16xf32>
        %add3A_390 = arith.addf %add3A_387, %add3A_388 : vector<16xf32>
        %add3A_391 = arith.addf %add3A_389, %add3A_390 : vector<16xf32>
        %add3A_392 = arith.addf %scan3A_301, %add3A_391 : vector<16xf32>
        %add3A_393 = arith.addf %get3A_349, %get3A_354 : vector<16xf32>
        %add3A_394 = arith.addf %get3A_359, %get3A_364 : vector<16xf32>
        %add3A_395 = arith.addf %get3A_369, %get3A_374 : vector<16xf32>
        %add3A_396 = arith.addf %get3A_379, %get3A_384 : vector<16xf32>
        %add3A_397 = arith.addf %add3A_393, %add3A_394 : vector<16xf32>
        %add3A_398 = arith.addf %add3A_395, %add3A_396 : vector<16xf32>
        %add3A_399 = arith.addf %add3A_397, %add3A_398 : vector<16xf32>
        %add3A_400 = arith.addf %scan3A_302, %add3A_399 : vector<16xf32>
        scf.yield %add3A_392, %add3A_400 : vector<16xf32>, vector<16xf32>
      }
      %scan3A_144 = arith.constant 25 : i32
      %add3A_145 = arith.constant 2 : i32
      %add3A_146 = arith.addi %add3A_28, %add3A_145 : i32
      %lt3A = arith.constant 128 : i32
      %lt3A_147 = arith.cmpi slt, %add3A_146, %lt3A : i32
      %convert_element_type3A_148 = arith.extui %lt3A_147 : i1 to i32
      %cond3A = arith.constant 0 : i32
      %cond3A_149 = arith.cmpi ne, %convert_element_type3A_148, %cond3A : i32
      scf.if %cond3A_149 {
        %dma_start3A_300 = arith.constant 0 : i32
        %dma_start3A_301 = tpu.memref_slice %arg5[%add3A_146, %dma_start3A_300] : memref<128x200xi32, #tpu.memory_space<vmem>> -> memref<1x200xi32, #tpu.memory_space<vmem>>
        %dma_start3A_302 = tpu.memref_squeeze %dma_start3A_301 : memref<1x200xi32, #tpu.memory_space<vmem>> -> memref<200xi32, #tpu.memory_space<vmem>>
        %dma_start3A_303 = arith.constant 0 : i32
        %dma_start3A_304 = arith.constant 0 : i32
        %dma_start3A_305 = tpu.memref_slice %arg3[%dma_start3A_303, %dma_start3A_304] : memref<1000000x32xf32, #tpu.memory_space<hbm>> -> memref<1000000x32xf32, #tpu.memory_space<hbm>>
        tpu.enqueue_indirect_dma source(%dma_start3A_305 : memref<1000000x32xf32, #tpu.memory_space<hbm>>) target(%arg6 : memref<200x32xf32, #tpu.memory_space<vmem>>) offsets(%dma_start3A_302 : memref<200xi32, #tpu.memory_space<vmem>>) semaphore(%arg9 : memref<!tpu.dma_semaphore, #tpu.memory_space<semaphore_mem>>)
      } else {
      }
      %mul3A_150 = arith.mulf %scan3A_143#0, %div3A : vector<16xf32>
      %swap3A = arith.index_cast %add3A_28 : i32 to index
      %swap3A_151 = arith.constant 0 : index
      %swap3A_152 = tpu.vector_load %arg8[%swap3A, %swap3A_151] {strides = array<i32>} : memref<128x32xf32, #tpu.memory_space<vmem>>, vector<16xf32>,
      tpu.vector_store %arg8[%swap3A, %swap3A_151], %mul3A_150 {strides = array<i32>} : memref<128x32xf32, #tpu.memory_space<vmem>>, vector<16xf32>,
      %mul3A_153 = arith.mulf %scan3A_143#1, %div3A : vector<16xf32>
      %swap3A_154 = arith.index_cast %add3A_28 : i32 to index
      %swap3A_155 = arith.constant 16 : index
      %swap3A_156 = tpu.vector_load %arg8[%swap3A_154, %swap3A_155] {strides = array<i32>} : memref<128x32xf32, #tpu.memory_space<vmem>>, vector<16xf32>,
      tpu.vector_store %arg8[%swap3A_154, %swap3A_155], %mul3A_153 {strides = array<i32>} : memref<128x32xf32, #tpu.memory_space<vmem>>, vector<16xf32>,
      %mul3A_157 = arith.constant 2 : i32
      %mul3A_158 = arith.muli %mul3A_157, %scan3A_24 : i32
      %add3A_159 = arith.constant 1 : i32
      %add3A_160 = arith.addi %mul3A_158, %add3A_159 : i32
      %broadcast_in_dim3A_161 = arith.constant 0 : i32
      %broadcast_in_dim3A_162 = vector.broadcast %broadcast_in_dim3A_161 : i32 to vector<16xi32>
      %get3A_163 = arith.index_cast %add3A_160 : i32 to index
      %get3A_164 = arith.constant 0 : index
      %get3A_165 = tpu.vector_load %arg5[%get3A_163, %get3A_164] {strides = array<i32>} : memref<128x200xi32, #tpu.memory_space<vmem>>, vector<16xi32>,
      %ne3A_166 = arith.constant 0 : i32
      %ne3A_167 = vector.broadcast %ne3A_166 : i32 to vector<16xi32>
      %ne3A_168 = arith.cmpi ne, %get3A_165, %ne3A_167 : vector<16xi32>
      %all_reduce_population_count3A_169 = tpu.all_reduce %ne3A_168 {dim = 0 : i64, kind = #tpu.reduction_kind<sum>} : vector<16xi1> -> vector<16xi32>
      %add3A_170 = arith.addi %broadcast_in_dim3A_162, %all_reduce_population_count3A_169 : vector<16xi32>
      %get3A_171 = arith.index_cast %add3A_160 : i32 to index
      %get3A_172 = arith.constant 16 : index
      %get3A_173 = tpu.vector_load %arg5[%get3A_171, %get3A_172] {strides = array<i32>} : memref<128x200xi32, #tpu.memory_space<vmem>>, vector<16xi32>,
      %ne3A_174 = arith.constant 0 : i32
      %ne3A_175 = vector.broadcast %ne3A_174 : i32 to vector<16xi32>
      %ne3A_176 = arith.cmpi ne, %get3A_173, %ne3A_175 : vector<16xi32>
      %all_reduce_population_count3A_177 = tpu.all_reduce %ne3A_176 {dim = 0 : i64, kind = #tpu.reduction_kind<sum>} : vector<16xi1> -> vector<16xi32>
      %add3A_178 = arith.addi %add3A_170, %all_reduce_population_count3A_177 : vector<16xi32>
      %get3A_179 = arith.index_cast %add3A_160 : i32 to index
      %get3A_180 = arith.constant 32 : index
      %get3A_181 = tpu.vector_load %arg5[%get3A_179, %get3A_180] {strides = array<i32>} : memref<128x200xi32, #tpu.memory_space<vmem>>, vector<16xi32>,
      %ne3A_182 = arith.constant 0 : i32
      %ne3A_183 = vector.broadcast %ne3A_182 : i32 to vector<16xi32>
      %ne3A_184 = arith.cmpi ne, %get3A_181, %ne3A_183 : vector<16xi32>
      %all_reduce_population_count3A_185 = tpu.all_reduce %ne3A_184 {dim = 0 : i64, kind = #tpu.reduction_kind<sum>} : vector<16xi1> -> vector<16xi32>
      %add3A_186 = arith.addi %add3A_178, %all_reduce_population_count3A_185 : vector<16xi32>
      %get3A_187 = arith.index_cast %add3A_160 : i32 to index
      %get3A_188 = arith.constant 48 : index
      %get3A_189 = tpu.vector_load %arg5[%get3A_187, %get3A_188] {strides = array<i32>} : memref<128x200xi32, #tpu.memory_space<vmem>>, vector<16xi32>,
      %ne3A_190 = arith.constant 0 : i32
      %ne3A_191 = vector.broadcast %ne3A_190 : i32 to vector<16xi32>
      %ne3A_192 = arith.cmpi ne, %get3A_189, %ne3A_191 : vector<16xi32>
      %all_reduce_population_count3A_193 = tpu.all_reduce %ne3A_192 {dim = 0 : i64, kind = #tpu.reduction_kind<sum>} : vector<16xi1> -> vector<16xi32>
      %add3A_194 = arith.addi %add3A_186, %all_reduce_population_count3A_193 : vector<16xi32>
      %get3A_195 = arith.index_cast %add3A_160 : i32 to index
      %get3A_196 = arith.constant 64 : index
      %get3A_197 = tpu.vector_load %arg5[%get3A_195, %get3A_196] {strides = array<i32>} : memref<128x200xi32, #tpu.memory_space<vmem>>, vector<16xi32>,
      %ne3A_198 = arith.constant 0 : i32
      %ne3A_199 = vector.broadcast %ne3A_198 : i32 to vector<16xi32>
      %ne3A_200 = arith.cmpi ne, %get3A_197, %ne3A_199 : vector<16xi32>
      %all_reduce_population_count3A_201 = tpu.all_reduce %ne3A_200 {dim = 0 : i64, kind = #tpu.reduction_kind<sum>} : vector<16xi1> -> vector<16xi32>
      %add3A_202 = arith.addi %add3A_194, %all_reduce_population_count3A_201 : vector<16xi32>
      %get3A_203 = arith.index_cast %add3A_160 : i32 to index
      %get3A_204 = arith.constant 80 : index
      %get3A_205 = tpu.vector_load %arg5[%get3A_203, %get3A_204] {strides = array<i32>} : memref<128x200xi32, #tpu.memory_space<vmem>>, vector<16xi32>,
      %ne3A_206 = arith.constant 0 : i32
      %ne3A_207 = vector.broadcast %ne3A_206 : i32 to vector<16xi32>
      %ne3A_208 = arith.cmpi ne, %get3A_205, %ne3A_207 : vector<16xi32>
      %all_reduce_population_count3A_209 = tpu.all_reduce %ne3A_208 {dim = 0 : i64, kind = #tpu.reduction_kind<sum>} : vector<16xi1> -> vector<16xi32>
      %add3A_210 = arith.addi %add3A_202, %all_reduce_population_count3A_209 : vector<16xi32>
      %get3A_211 = arith.index_cast %add3A_160 : i32 to index
      %get3A_212 = arith.constant 96 : index
      %get3A_213 = tpu.vector_load %arg5[%get3A_211, %get3A_212] {strides = array<i32>} : memref<128x200xi32, #tpu.memory_space<vmem>>, vector<16xi32>,
      %ne3A_214 = arith.constant 0 : i32
      %ne3A_215 = vector.broadcast %ne3A_214 : i32 to vector<16xi32>
      %ne3A_216 = arith.cmpi ne, %get3A_213, %ne3A_215 : vector<16xi32>
      %all_reduce_population_count3A_217 = tpu.all_reduce %ne3A_216 {dim = 0 : i64, kind = #tpu.reduction_kind<sum>} : vector<16xi1> -> vector<16xi32>
      %add3A_218 = arith.addi %add3A_210, %all_reduce_population_count3A_217 : vector<16xi32>
      %get3A_219 = arith.index_cast %add3A_160 : i32 to index
      %get3A_220 = arith.constant 112 : index
      %get3A_221 = tpu.vector_load %arg5[%get3A_219, %get3A_220] {strides = array<i32>} : memref<128x200xi32, #tpu.memory_space<vmem>>, vector<16xi32>,
      %ne3A_222 = arith.constant 0 : i32
      %ne3A_223 = vector.broadcast %ne3A_222 : i32 to vector<16xi32>
      %ne3A_224 = arith.cmpi ne, %get3A_221, %ne3A_223 : vector<16xi32>
      %all_reduce_population_count3A_225 = tpu.all_reduce %ne3A_224 {dim = 0 : i64, kind = #tpu.reduction_kind<sum>} : vector<16xi1> -> vector<16xi32>
      %add3A_226 = arith.addi %add3A_218, %all_reduce_population_count3A_225 : vector<16xi32>
      %get3A_227 = arith.index_cast %add3A_160 : i32 to index
      %get3A_228 = arith.constant 128 : index
      %get3A_229 = tpu.vector_load %arg5[%get3A_227, %get3A_228] {strides = array<i32>} : memref<128x200xi32, #tpu.memory_space<vmem>>, vector<16xi32>,
      %ne3A_230 = arith.constant 0 : i32
      %ne3A_231 = vector.broadcast %ne3A_230 : i32 to vector<16xi32>
      %ne3A_232 = arith.cmpi ne, %get3A_229, %ne3A_231 : vector<16xi32>
      %all_reduce_population_count3A_233 = tpu.all_reduce %ne3A_232 {dim = 0 : i64, kind = #tpu.reduction_kind<sum>} : vector<16xi1> -> vector<16xi32>
      %add3A_234 = arith.addi %add3A_226, %all_reduce_population_count3A_233 : vector<16xi32>
      %get3A_235 = arith.index_cast %add3A_160 : i32 to index
      %get3A_236 = arith.constant 144 : index
      %get3A_237 = tpu.vector_load %arg5[%get3A_235, %get3A_236] {strides = array<i32>} : memref<128x200xi32, #tpu.memory_space<vmem>>, vector<16xi32>,
      %ne3A_238 = arith.constant 0 : i32
      %ne3A_239 = vector.broadcast %ne3A_238 : i32 to vector<16xi32>
      %ne3A_240 = arith.cmpi ne, %get3A_237, %ne3A_239 : vector<16xi32>
      %all_reduce_population_count3A_241 = tpu.all_reduce %ne3A_240 {dim = 0 : i64, kind = #tpu.reduction_kind<sum>} : vector<16xi1> -> vector<16xi32>
      %add3A_242 = arith.addi %add3A_234, %all_reduce_population_count3A_241 : vector<16xi32>
      %get3A_243 = arith.index_cast %add3A_160 : i32 to index
      %get3A_244 = arith.constant 160 : index
      %get3A_245 = tpu.vector_load %arg5[%get3A_243, %get3A_244] {strides = array<i32>} : memref<128x200xi32, #tpu.memory_space<vmem>>, vector<16xi32>,
      %ne3A_246 = arith.constant 0 : i32
      %ne3A_247 = vector.broadcast %ne3A_246 : i32 to vector<16xi32>
      %ne3A_248 = arith.cmpi ne, %get3A_245, %ne3A_247 : vector<16xi32>
      %all_reduce_population_count3A_249 = tpu.all_reduce %ne3A_248 {dim = 0 : i64, kind = #tpu.reduction_kind<sum>} : vector<16xi1> -> vector<16xi32>
      %add3A_250 = arith.addi %add3A_242, %all_reduce_population_count3A_249 : vector<16xi32>
      %get3A_251 = arith.index_cast %add3A_160 : i32 to index
      %get3A_252 = arith.constant 176 : index
      %get3A_253 = tpu.vector_load %arg5[%get3A_251, %get3A_252] {strides = array<i32>} : memref<128x200xi32, #tpu.memory_space<vmem>>, vector<16xi32>,
      %ne3A_254 = arith.constant 0 : i32
      %ne3A_255 = vector.broadcast %ne3A_254 : i32 to vector<16xi32>
      %ne3A_256 = arith.cmpi ne, %get3A_253, %ne3A_255 : vector<16xi32>
      %all_reduce_population_count3A_257 = tpu.all_reduce %ne3A_256 {dim = 0 : i64, kind = #tpu.reduction_kind<sum>} : vector<16xi1> -> vector<16xi32>
      %add3A_258 = arith.addi %add3A_250, %all_reduce_population_count3A_257 : vector<16xi32>
      %get3A_259 = arith.index_cast %add3A_160 : i32 to index
      %get3A_260 = arith.constant 184 : index
      %get3A_261 = tpu.vector_load %arg5[%get3A_259, %get3A_260] {strides = array<i32>} : memref<128x200xi32, #tpu.memory_space<vmem>>, vector<16xi32>,
      %ne3A_262 = arith.constant 0 : i32
      %ne3A_263 = vector.broadcast %ne3A_262 : i32 to vector<16xi32>
      %ne3A_264 = arith.cmpi ne, %get3A_261, %ne3A_263 : vector<16xi32>
      %ge3A_265 = arith.constant 8 : i32
      %ge3A_266 = vector.broadcast %ge3A_265 : i32 to vector<16xi32>
      %ge3A_267 = arith.cmpi sge, %iota3A, %ge3A_266 : vector<16xi32>
      %and3A_268 = arith.andi %ne3A_264, %ge3A_267 : vector<16xi1>
      %all_reduce_population_count3A_269 = tpu.all_reduce %and3A_268 {dim = 0 : i64, kind = #tpu.reduction_kind<sum>} : vector<16xi1> -> vector<16xi32>
      %add3A_270 = arith.addi %add3A_258, %all_reduce_population_count3A_269 : vector<16xi32>
      %convert_element_type3A_271 = arith.sitofp %add3A_270 : vector<16xi32> to vector<16xf32>
      %div3A_272 = arith.divf %broadcast_in_dim3A_5, %convert_element_type3A_271 : vector<16xf32>
      %dma_wait3A_273 = arith.constant 0 : i32
      %dma_wait3A_274 = tpu.memref_slice %arg5[%add3A_160, %dma_wait3A_273] : memref<128x200xi32, #tpu.memory_space<vmem>> -> memref<1x200xi32, #tpu.memory_space<vmem>>
      %dma_wait3A_275 = tpu.memref_squeeze %dma_wait3A_274 : memref<1x200xi32, #tpu.memory_space<vmem>> -> memref<200xi32, #tpu.memory_space<vmem>>
      %dma_wait3A_276 = arith.constant 0 : i32
      %dma_wait3A_277 = arith.constant 0 : i32
      %dma_wait3A_278 = tpu.memref_slice %arg3[%dma_wait3A_276, %dma_wait3A_277] : memref<1000000x32xf32, #tpu.memory_space<hbm>> -> memref<1000000x32xf32, #tpu.memory_space<hbm>>
      tpu.wait_indirect_dma semaphore(%arg10 : memref<!tpu.dma_semaphore, #tpu.memory_space<semaphore_mem>>) src(%dma_wait3A_278 : memref<1000000x32xf32, #tpu.memory_space<hbm>>) dst(%arg7 : memref<200x32xf32, #tpu.memory_space<vmem>>)
      %scan3A_279 = arith.constant 0 : i32
      %scan3A_280 = arith.constant 25 : i32
      %scan3A_281 = arith.addi %scan3A_279, %scan3A_280 : i32
      %scan3A_282 = arith.constant 1 : i32
      %scan3A_283:2 = scf.for %scan3A_300 = %scan3A_279 to %scan3A_281 step %scan3A_282 iter_args(%scan3A_301 = %broadcast_in_dim3A_3, %scan3A_302 = %broadcast_in_dim3A_3) -> (vector<16xf32>, vector<16xf32>)  : i32 {
        %mul3A_303 = arith.constant 8 : i32
        %mul3A_304 = arith.muli %scan3A_300, %mul3A_303 : i32
        %add3A_305 = arith.constant 0 : i32
        %add3A_306 = arith.addi %mul3A_304, %add3A_305 : i32
        %get3A_307 = arith.index_cast %add3A_306 : i32 to index
        %get3A_308 = arith.constant 0 : index
        %get3A_309 = tpu.vector_load %arg7[%get3A_307, %get3A_308] {strides = array<i32>} : memref<200x32xf32, #tpu.memory_space<vmem>>, vector<16xf32>,
        %add3A_310 = arith.constant 1 : i32
        %add3A_311 = arith.addi %mul3A_304, %add3A_310 : i32
        %get3A_312 = arith.index_cast %add3A_311 : i32 to index
        %get3A_313 = arith.constant 0 : index
        %get3A_314 = tpu.vector_load %arg7[%get3A_312, %get3A_313] {strides = array<i32>} : memref<200x32xf32, #tpu.memory_space<vmem>>, vector<16xf32>,
        %add3A_315 = arith.constant 2 : i32
        %add3A_316 = arith.addi %mul3A_304, %add3A_315 : i32
        %get3A_317 = arith.index_cast %add3A_316 : i32 to index
        %get3A_318 = arith.constant 0 : index
        %get3A_319 = tpu.vector_load %arg7[%get3A_317, %get3A_318] {strides = array<i32>} : memref<200x32xf32, #tpu.memory_space<vmem>>, vector<16xf32>,
        %add3A_320 = arith.constant 3 : i32
        %add3A_321 = arith.addi %mul3A_304, %add3A_320 : i32
        %get3A_322 = arith.index_cast %add3A_321 : i32 to index
        %get3A_323 = arith.constant 0 : index
        %get3A_324 = tpu.vector_load %arg7[%get3A_322, %get3A_323] {strides = array<i32>} : memref<200x32xf32, #tpu.memory_space<vmem>>, vector<16xf32>,
        %add3A_325 = arith.constant 4 : i32
        %add3A_326 = arith.addi %mul3A_304, %add3A_325 : i32
        %get3A_327 = arith.index_cast %add3A_326 : i32 to index
        %get3A_328 = arith.constant 0 : index
        %get3A_329 = tpu.vector_load %arg7[%get3A_327, %get3A_328] {strides = array<i32>} : memref<200x32xf32, #tpu.memory_space<vmem>>, vector<16xf32>,
        %add3A_330 = arith.constant 5 : i32
        %add3A_331 = arith.addi %mul3A_304, %add3A_330 : i32
        %get3A_332 = arith.index_cast %add3A_331 : i32 to index
        %get3A_333 = arith.constant 0 : index
        %get3A_334 = tpu.vector_load %arg7[%get3A_332, %get3A_333] {strides = array<i32>} : memref<200x32xf32, #tpu.memory_space<vmem>>, vector<16xf32>,
        %add3A_335 = arith.constant 6 : i32
        %add3A_336 = arith.addi %mul3A_304, %add3A_335 : i32
        %get3A_337 = arith.index_cast %add3A_336 : i32 to index
        %get3A_338 = arith.constant 0 : index
        %get3A_339 = tpu.vector_load %arg7[%get3A_337, %get3A_338] {strides = array<i32>} : memref<200x32xf32, #tpu.memory_space<vmem>>, vector<16xf32>,
        %add3A_340 = arith.constant 7 : i32
        %add3A_341 = arith.addi %mul3A_304, %add3A_340 : i32
        %get3A_342 = arith.index_cast %add3A_341 : i32 to index
        %get3A_343 = arith.constant 0 : index
        %get3A_344 = tpu.vector_load %arg7[%get3A_342, %get3A_343] {strides = array<i32>} : memref<200x32xf32, #tpu.memory_space<vmem>>, vector<16xf32>,
        %add3A_345 = arith.constant 0 : i32
        %add3A_346 = arith.addi %mul3A_304, %add3A_345 : i32
        %get3A_347 = arith.index_cast %add3A_346 : i32 to index
        %get3A_348 = arith.constant 16 : index
        %get3A_349 = tpu.vector_load %arg7[%get3A_347, %get3A_348] {strides = array<i32>} : memref<200x32xf32, #tpu.memory_space<vmem>>, vector<16xf32>,
        %add3A_350 = arith.constant 1 : i32
        %add3A_351 = arith.addi %mul3A_304, %add3A_350 : i32
        %get3A_352 = arith.index_cast %add3A_351 : i32 to index
        %get3A_353 = arith.constant 16 : index
        %get3A_354 = tpu.vector_load %arg7[%get3A_352, %get3A_353] {strides = array<i32>} : memref<200x32xf32, #tpu.memory_space<vmem>>, vector<16xf32>,
        %add3A_355 = arith.constant 2 : i32
        %add3A_356 = arith.addi %mul3A_304, %add3A_355 : i32
        %get3A_357 = arith.index_cast %add3A_356 : i32 to index
        %get3A_358 = arith.constant 16 : index
        %get3A_359 = tpu.vector_load %arg7[%get3A_357, %get3A_358] {strides = array<i32>} : memref<200x32xf32, #tpu.memory_space<vmem>>, vector<16xf32>,
        %add3A_360 = arith.constant 3 : i32
        %add3A_361 = arith.addi %mul3A_304, %add3A_360 : i32
        %get3A_362 = arith.index_cast %add3A_361 : i32 to index
        %get3A_363 = arith.constant 16 : index
        %get3A_364 = tpu.vector_load %arg7[%get3A_362, %get3A_363] {strides = array<i32>} : memref<200x32xf32, #tpu.memory_space<vmem>>, vector<16xf32>,
        %add3A_365 = arith.constant 4 : i32
        %add3A_366 = arith.addi %mul3A_304, %add3A_365 : i32
        %get3A_367 = arith.index_cast %add3A_366 : i32 to index
        %get3A_368 = arith.constant 16 : index
        %get3A_369 = tpu.vector_load %arg7[%get3A_367, %get3A_368] {strides = array<i32>} : memref<200x32xf32, #tpu.memory_space<vmem>>, vector<16xf32>,
        %add3A_370 = arith.constant 5 : i32
        %add3A_371 = arith.addi %mul3A_304, %add3A_370 : i32
        %get3A_372 = arith.index_cast %add3A_371 : i32 to index
        %get3A_373 = arith.constant 16 : index
        %get3A_374 = tpu.vector_load %arg7[%get3A_372, %get3A_373] {strides = array<i32>} : memref<200x32xf32, #tpu.memory_space<vmem>>, vector<16xf32>,
        %add3A_375 = arith.constant 6 : i32
        %add3A_376 = arith.addi %mul3A_304, %add3A_375 : i32
        %get3A_377 = arith.index_cast %add3A_376 : i32 to index
        %get3A_378 = arith.constant 16 : index
        %get3A_379 = tpu.vector_load %arg7[%get3A_377, %get3A_378] {strides = array<i32>} : memref<200x32xf32, #tpu.memory_space<vmem>>, vector<16xf32>,
        %add3A_380 = arith.constant 7 : i32
        %add3A_381 = arith.addi %mul3A_304, %add3A_380 : i32
        %get3A_382 = arith.index_cast %add3A_381 : i32 to index
        %get3A_383 = arith.constant 16 : index
        %get3A_384 = tpu.vector_load %arg7[%get3A_382, %get3A_383] {strides = array<i32>} : memref<200x32xf32, #tpu.memory_space<vmem>>, vector<16xf32>,
        %add3A_385 = arith.addf %get3A_309, %get3A_314 : vector<16xf32>
        %add3A_386 = arith.addf %get3A_319, %get3A_324 : vector<16xf32>
        %add3A_387 = arith.addf %get3A_329, %get3A_334 : vector<16xf32>
        %add3A_388 = arith.addf %get3A_339, %get3A_344 : vector<16xf32>
        %add3A_389 = arith.addf %add3A_385, %add3A_386 : vector<16xf32>
        %add3A_390 = arith.addf %add3A_387, %add3A_388 : vector<16xf32>
        %add3A_391 = arith.addf %add3A_389, %add3A_390 : vector<16xf32>
        %add3A_392 = arith.addf %scan3A_301, %add3A_391 : vector<16xf32>
        %add3A_393 = arith.addf %get3A_349, %get3A_354 : vector<16xf32>
        %add3A_394 = arith.addf %get3A_359, %get3A_364 : vector<16xf32>
        %add3A_395 = arith.addf %get3A_369, %get3A_374 : vector<16xf32>
        %add3A_396 = arith.addf %get3A_379, %get3A_384 : vector<16xf32>
        %add3A_397 = arith.addf %add3A_393, %add3A_394 : vector<16xf32>
        %add3A_398 = arith.addf %add3A_395, %add3A_396 : vector<16xf32>
        %add3A_399 = arith.addf %add3A_397, %add3A_398 : vector<16xf32>
        %add3A_400 = arith.addf %scan3A_302, %add3A_399 : vector<16xf32>
        scf.yield %add3A_392, %add3A_400 : vector<16xf32>, vector<16xf32>
      }
      %scan3A_284 = arith.constant 25 : i32
      %add3A_285 = arith.constant 2 : i32
      %add3A_286 = arith.addi %add3A_160, %add3A_285 : i32
      %lt3A_287 = arith.constant 128 : i32
      %lt3A_288 = arith.cmpi slt, %add3A_286, %lt3A_287 : i32
      %convert_element_type3A_289 = arith.extui %lt3A_288 : i1 to i32
      %cond3A_290 = arith.constant 0 : i32
      %cond3A_291 = arith.cmpi ne, %convert_element_type3A_289, %cond3A_290 : i32
      scf.if %cond3A_291 {
        %dma_start3A_300 = arith.constant 0 : i32
        %dma_start3A_301 = tpu.memref_slice %arg5[%add3A_286, %dma_start3A_300] : memref<128x200xi32, #tpu.memory_space<vmem>> -> memref<1x200xi32, #tpu.memory_space<vmem>>
        %dma_start3A_302 = tpu.memref_squeeze %dma_start3A_301 : memref<1x200xi32, #tpu.memory_space<vmem>> -> memref<200xi32, #tpu.memory_space<vmem>>
        %dma_start3A_303 = arith.constant 0 : i32
        %dma_start3A_304 = arith.constant 0 : i32
        %dma_start3A_305 = tpu.memref_slice %arg3[%dma_start3A_303, %dma_start3A_304] : memref<1000000x32xf32, #tpu.memory_space<hbm>> -> memref<1000000x32xf32, #tpu.memory_space<hbm>>
        tpu.enqueue_indirect_dma source(%dma_start3A_305 : memref<1000000x32xf32, #tpu.memory_space<hbm>>) target(%arg7 : memref<200x32xf32, #tpu.memory_space<vmem>>) offsets(%dma_start3A_302 : memref<200xi32, #tpu.memory_space<vmem>>) semaphore(%arg10 : memref<!tpu.dma_semaphore, #tpu.memory_space<semaphore_mem>>)
      } else {
      }
      %mul3A_292 = arith.mulf %scan3A_283#0, %div3A_272 : vector<16xf32>
      %swap3A_293 = arith.index_cast %add3A_160 : i32 to index
      %swap3A_294 = arith.constant 0 : index
      %swap3A_295 = tpu.vector_load %arg8[%swap3A_293, %swap3A_294] {strides = array<i32>} : memref<128x32xf32, #tpu.memory_space<vmem>>, vector<16xf32>,
      tpu.vector_store %arg8[%swap3A_293, %swap3A_294], %mul3A_292 {strides = array<i32>} : memref<128x32xf32, #tpu.memory_space<vmem>>, vector<16xf32>,
      %mul3A_296 = arith.mulf %scan3A_283#1, %div3A_272 : vector<16xf32>
      %swap3A_297 = arith.index_cast %add3A_160 : i32 to index
      %swap3A_298 = arith.constant 16 : index
      %swap3A_299 = tpu.vector_load %arg8[%swap3A_297, %swap3A_298] {strides = array<i32>} : memref<128x32xf32, #tpu.memory_space<vmem>>, vector<16xf32>,
      tpu.vector_store %arg8[%swap3A_297, %swap3A_298], %mul3A_296 {strides = array<i32>} : memref<128x32xf32, #tpu.memory_space<vmem>>, vector<16xf32>,
    }
    %scan3A_23 = arith.constant 64 : i32
    "tpu.region"() ({
      %run_scoped3A = tpu.sem_alloc : memref<!tpu.dma_semaphore, #tpu.memory_space<semaphore_mem>>
      %dma_start3A_24 = arith.constant 0 : i32
      %dma_start3A_25 = tpu.memref_slice %arg4[%mul3A_2, %dma_start3A_24] : memref<4096x32xf32, #tpu.memory_space<hbm>> -> memref<128x32xf32, #tpu.memory_space<hbm>>
      %dma_start3A_26 = arith.constant 0 : i32
      %dma_start3A_27 = tpu.memref_slice %arg4[%mul3A_2, %dma_start3A_26] : memref<4096x32xf32, #tpu.memory_space<hbm>> -> memref<128x32xf32, #tpu.memory_space<hbm>>
      tpu.enqueue_dma source(%arg8 : memref<128x32xf32, #tpu.memory_space<vmem>>) target(%dma_start3A_27 : memref<128x32xf32, #tpu.memory_space<hbm>>) target_semaphore(%run_scoped3A : memref<!tpu.dma_semaphore, #tpu.memory_space<semaphore_mem>>)
      %dma_wait3A = arith.constant 0 : i32
      %dma_wait3A_28 = tpu.memref_slice %arg4[%mul3A_2, %dma_wait3A] : memref<4096x32xf32, #tpu.memory_space<hbm>> -> memref<128x32xf32, #tpu.memory_space<hbm>>
      %dma_wait3A_29 = arith.constant 0 : i32
      %dma_wait3A_30 = tpu.memref_slice %arg4[%mul3A_2, %dma_wait3A_29] : memref<4096x32xf32, #tpu.memory_space<hbm>> -> memref<128x32xf32, #tpu.memory_space<hbm>>
      tpu.wait_dma2 semaphore(%run_scoped3A : memref<!tpu.dma_semaphore, #tpu.memory_space<semaphore_mem>>) src(%arg8 : memref<128x32xf32, #tpu.memory_space<vmem>>) dst(%dma_wait3A_30 : memref<128x32xf32, #tpu.memory_space<hbm>>)
      tpu.yield
    }) : () -> ()
    return
  }
}

</mosaic_0001>

<sc_bundles>
// kernel: kernel.3.cloned.1.call-start
scs
__scs_entry_jumppad:
0x0: {  	(pc) =	sbr.rel $0x88, $3  }
0x1: {  	(tag) =	ssettag $0x0;
	lr =	simm.s32 $0x1  }
0x2: {  	[smem:$0x3F9F] =	sst lr;
	_ =	strace $0xD0000000  }
0x3: {  	_ = 	snop  }
0x4: {  	_ = 	snop  }
0x5: {  	_ = 	snop  }
0x6: {  	_ = 	snop  }
0x7: {  	_ = 	snop  }
__scs_overlays_trampoline_lowered:
0x8: {  	[smem:$0x3FAE] =	sst s0  }
0x9: {  	[smem:$0x3FAF] =	sst s1  }
0xa: {  	[smem:$0x3FB0] =	sst s2  }
0xb: {  	[smem:$0x3FB1] =	sst s3  }
0xc: {  	[smem:$0x3FB2] =	sst s4  }
0xd: {  	[smem:$0x3FB3] =	sst s5  }
0xe: {  	[smem:$0x3FB4] =	sst s6  }
0xf: {  	[smem:$0x3FB5] =	sst s7  }
0x10: {  	[smem:$0x3FB6] =	sst s8  }
0x11: {  	[smem:$0x3FB7] =	sst s9;
	s0 =	simm.s32 @!p0 $0x0  }
0x12: {  	s1 =	sld [smem:$0x3F9D];
	s0 =	simm.s32 @p0 $0x1  }
0x13: {  	[smem:$0x3FB8] =	sst s0;
	s0 =	simm.s32 @!p1 $0x0  }
0x14: {  	s2 =	sld [smem:$0x3F9C];
	s0 =	simm.s32 @p1 $0x1  }
0x15: {  	[smem:$0x3FB9] =	sst s0;
	s0 =	simm.s32 @!p2 $0x0  }
0x16: {  	s3 =	sld [smem:$0x3FDB];
	s0 =	simm.s32 @p2 $0x1  }
0x17: {  	s4 =	simm.s32 $0x1BF5;
	[smem:$0x3FBB] =	sst s0  }
0x18: {  	s0 =	sld [smem:$0x3F9E];
	_ =	swait.ge [sflag:s4], $0x0  }
0x19: {  	s7 =	sld [smem:$0x3F9F]  }
0x1a: {  	s8 =	sadd.s32 $0xFFFFE003, lr  }
0x1b: {  	s9 =	sadd.s32 $0xFFFFFEF7, lr;
	s5 =	simm.s32 $0xFFFFFFFF;
	p2 =	slt.u32 s8, $0xFFFFF086  }
0x1c: {  	p1 =	slt.u32 s9, $0xF7A;
	s5 =	simm.s32 @!p2 $0x0  }
0x1d: {  	s5 =	simm.s32 @p1 $0x1;
	p0 =	seq.s32 s7, s2  }
0x1e: {  	s7 =	smul.u32 @!p0 $0xF7A, s2;
	p2 =	seq.s32 @!p0 s5, $0x0  }
0x1f: {  	s9 =	smul.u32 $0xF7A, s1;
	s8 =	simm.s32 @!p0 $0x1BF5;
	p2 =	por !p2, p0  }
0x20: {  	[sflag:s8] =	ssyncset.s32 @!p0 $0xFFFFF086;
	s6 =	sadd.s32 @!p0 s3, s7;
	s7 =	simm.s32 @!p0 $0x108  }
0x21: {  	s3 =	sadd.s32 s3, s9;
	s6 =	sadd.s32 @!p0 $0x88, s6;
	s7 =	simm.s32 @p2 $0x1082  }
0x22: {  	[simem:s7], [sflag:s8] =	dma.local @!p0 [hbm:s6], $0xF7A  }
0x23: {  	s9 =	sor.u32 $0xD0000000, s2;
	s6 =	simm.s32 $0x108;
	_ =	swait.ge @!p0 [sflag:s8], $0x0  }
0x24: {  	s3 =	sadd.s32 $0x88, s3;
	s6 =	simm.s32 @!p1 $0x1082;
	[sflag:s4] =	ssyncset.s32 $0xFFFFF086  }
0x25: {  	[simem:s6], [sflag:s4] =	dma.local [hbm:s3], $0xF7A  }
0x26: {  	[smem:$0x3F9F] =	sst s1;
	(tag) =	ssettag s2;
	_ =	strace s9  }
0x27: {  	s1 =	sld [smem:$0x3FAF]  }
0x28: {  	s2 =	sld [smem:$0x3FB0]  }
0x29: {  	s4 =	sld [smem:$0x3FB2]  }
0x2a: {  	p0 =	seq.s32 s5, $0x0;
	s5 =	sld [smem:$0x3FB3]  }
0x2b: {  	s6 =	sld [smem:$0x3FB4]  }
0x2c: {  	s7 =	sld [smem:$0x3FB5]  }
0x2d: {  	s3 =	simm.s32 $0x108;
	s8 =	sld [smem:$0x3FB6]  }
0x2e: {  	s3 =	simm.s32 @!p0 $0x1082;
	s9 =	sld [smem:$0x3FB7]  }
0x2f: {  	lr =	sadd.s32 s0, s3;
	s0 =	sld [smem:$0x3FAE]  }
0x30: {  	s3 =	sld [smem:$0x3FB1]  }
0x31: {  	[smem:$0x3FBA] =	sst s10  }
0x32: {  	s10 =	sld [smem:$0x3FB8];
	_ =	sdelay $0x3  }
0x33: {  	p0 =	seq.s32 s10, $0x1;
	s10 =	sld [smem:$0x3FBA];
	_ =	sdelay $0x3  }
0x34: {  	[smem:$0x3FBA] =	sst s10  }
0x35: {  	s10 =	sld [smem:$0x3FB9];
	_ =	sdelay $0x3  }
0x36: {  	p1 =	seq.s32 s10, $0x1;
	s10 =	sld [smem:$0x3FBA];
	_ =	sdelay $0x3  }
0x37: {  	[smem:$0x3FBA] =	sst s10  }
0x38: {  	s10 =	sld [smem:$0x3FBB]  }
0x39: {  	_ = 	snop;
	(pc) =	sbr.ind lr, $3  }
0x3a: {  	_ = 	snop  }
0x3b: {  	_ = 	snop  }
0x3c: {  	p2 =	seq.s32 s10, $0x1;
	s10 =	sld [smem:$0x3FBA]  }
0x3d: {  	_ =	shalt  }
0x3e: {  	_ =	shalt  }
0x3f: {  	_ =	shalt  }
0x40: {  	_ =	shalt  }
0x41: {  	_ =	shalt  }
0x42: {  	_ =	shalt  }
0x43: {  	_ =	shalt  }
0x44: {  	_ =	shalt  }
0x45: {  	_ =	shalt  }
0x46: {  	_ =	shalt  }
0x47: {  	_ =	shalt  }
0x48: {  	_ =	shalt  }
0x49: {  	_ =	shalt  }
0x4a: {  	_ =	shalt  }
0x4b: {  	_ =	shalt  }
0x4c: {  	_ =	shalt  }
0x4d: {  	_ =	shalt  }
0x4e: {  	_ =	shalt  }
0x4f: {  	_ =	shalt  }
0x50: {  	_ =	shalt  }
0x51: {  	_ =	shalt  }
0x52: {  	_ =	shalt  }
0x53: {  	_ =	shalt  }
0x54: {  	_ =	shalt  }
0x55: {  	_ =	shalt  }
0x56: {  	_ =	shalt  }
0x57: {  	_ =	shalt  }
0x58: {  	_ =	shalt  }
0x59: {  	_ =	shalt  }
0x5a: {  	_ =	shalt  }
0x5b: {  	_ =	shalt  }
0x5c: {  	_ =	shalt  }
0x5d: {  	_ =	shalt  }
0x5e: {  	_ =	shalt  }
0x5f: {  	_ =	shalt  }
0x60: {  	_ =	shalt  }
0x61: {  	_ =	shalt  }
0x62: {  	_ =	shalt  }
0x63: {  	_ =	shalt  }
0x64: {  	_ =	shalt  }
0x65: {  	_ =	shalt  }
0x66: {  	_ =	shalt  }
0x67: {  	_ =	shalt  }
0x68: {  	_ =	shalt  }
0x69: {  	_ =	shalt  }
0x6a: {  	_ =	shalt  }
0x6b: {  	_ =	shalt  }
0x6c: {  	_ =	shalt  }
0x6d: {  	_ =	shalt  }
0x6e: {  	_ =	shalt  }
0x6f: {  	_ =	shalt  }
0x70: {  	_ =	shalt  }
0x71: {  	_ =	shalt  }
0x72: {  	_ =	shalt  }
0x73: {  	_ =	shalt  }
0x74: {  	_ =	shalt  }
0x75: {  	_ =	shalt  }
0x76: {  	_ =	shalt  }
0x77: {  	_ =	shalt  }
0x78: {  	_ =	shalt  }
0x79: {  	_ =	shalt  }
0x7a: {  	_ =	shalt  }
0x7b: {  	_ =	shalt  }
0x7c: {  	_ =	shalt  }
0x7d: {  	_ =	shalt  }
0x7e: {  	_ =	shalt  }
0x7f: {  	_ =	shalt  }
0x80: {  	_ =	shalt  }
0x81: {  	_ =	shalt  }
0x82: {  	_ =	shalt  }
0x83: {  	_ =	shalt  }
0x84: {  	_ =	shalt  }
0x85: {  	_ =	shalt  }
0x86: {  	_ =	shalt  }
0x87: {  	_ =	shalt  }
.Lfunc_end0:
.L_simem_size_0:
called_computation_lowered:
.L_overlay_start_0:
0x88: {  	s2 =	sld [smem:$0x3FD9]  }
0x89: {  	s3 =	sld [smem:$0x3FFE];
	_ =	sdelay $0x1  }
0x8a: {  	s1 =	srdreg.scid  }
0x8b: {  	s0 =	sand.u32 $0x1, s1  }
0x8c: {  	s17 =	sshll.u32 s0, $0xA;
	s2 =	sadd.s32 s3, s2  }
0x8d: {  	s2 =	sadd.s32 s2, s17  }
0x8e: {  	[smem:$0x3FC6] =	sst s2  }
0x8f: {  	_ = 	snop  }
0x90: {  	s2 =	sld [smem:$0x3FD0];
	(tm) =	ssettm $0x1  }
0x91: {  	s18 =	sld [smem:$0x3FFB];
	_ =	sdelay $0x3  }
0x92: {  	_ =	strace s18  }
0x93: {  	s3 =	sld [smem:$0x3FFC];
	_ =	sdelay $0x3  }
0x94: {  	_ =	strace s3  }
0x95: {  	s3 =	sld [smem:$0x3FFD];
	_ =	sdelay $0x3  }
0x96: {  	_ =	strace s3  }
0x97: {  	_ =	strace $0x8FFFFFFF  }
0x98: {  	s19 =	sld [smem:$0x3FDB];
	_ =	sdelay $0x1  }
0x99: {  	s4 =	simm.s32 $_scs_section_size  }
0x9a: {  	s5 =	simm.s32 $_size__tile_overlayer_lowered;
	s6 =	simm.s32 $_tile_overlayer_lowered  }
0x9b: {  	s22 =	simm.s32 $0x1BFF;
	s21 =	sshll.u32 s6, $0x1;
	s3 =	sadd.s32 s4, s19  }
0x9c: {  	s7 =	simm.s32 $0x0;
	s20 =	sshll.u32 s5, $0x1;
	s5 =	sadd.s32 s21, s3  }
0x9d: {  	[timem:s7], [sflag:s22] =	dma.local [hbm:s5], s20  }
0x9e: {  	_ =	swait.ge [sflag:s22], s20  }
0x9f: {  	s4 =	ssub.s32 $0x0, s20;
	[sflag:s22] =	ssyncset.done $0x0  }
0xa0: {  	[sflag:s22] =	ssyncadd.s32 s4;
	_ =	sdelay $0x1  }
0xa1: {  	s23 =	simm.s32 $0x1B8B  }
0xa2: {  	_ =	swait.ge [sflag:s23], $0x1  }
0xa3: {  	[sflag:s23] =	ssyncset.done $0x0  }
0xa4: {  	s25 =	simm.s32 $0x1B8E;
	s24 =	sld [smem:$0x3FFE];
	[sflag:s23] =	ssyncadd.s32 $0xFFFFFFFF  }
0xa5: {  	s26 =	simm.s32 $execute0_lowered;
	[smem:$0x3FD2] =	sst s25  }
0xa6: {  	s5 =	sshll.u32 s26, $0x1;
	_ =	strace $0x80000046;
	[dreg:$0x1] =	wrdreg $0xFFFFFFFF  }
0xa7: {  	s28 =	simm.s32 $_size_execute0_lowered;
	s3 =	sadd.s32 s3, s5;
	[dreg:$0x0] =	wrdreg $0x0  }
0xa8: {  	s5 =	sshll.u32 s28, $0x1;
	[dreg:$0x2] =	wrdreg s3  }
0xa9: {  	[dreg:$0x3] =	wrdreg s5  }
0xaa: {  	[dreg:$0x4] =	wrdreg $0xC0  }
0xab: {  	_ =	task [dreg:s7], $0x5FFFF  }
0xac: {  	[dreg:$0x1] =	wrdreg $0xFFFFFFFF  }
0xad: {  	[dreg:$0x0] =	wrdreg $0x60  }
0xae: {  	[dreg:$0x2] =	wrdreg s24  }
0xaf: {  	[dreg:$0x3] =	wrdreg s2  }
0xb0: {  	[dreg:$0x4] =	wrdreg $0x9  }
0xb1: {  	_ =	task.clear_ibuf [dreg:s7], $0x5FFFF;
	_ =	strace $0x90000046  }
0xb2: {  	s29 =	simm.s32 $0x9;
	_ =	strace $0x80000048  }
0xb3: {  	_ =	swait.ge [sflag:s29], $0x1  }
0xb4: {  	[sflag:s29] =	ssyncadd.s32 $0xFFFFFFFF  }
0xb5: {  	_ =	strace $0x90000048  }
0xb6: {  	_ =	sfence  }
0xb7: {  	s30 =	sld [smem:$0x0];
	_ =	sdelay $0x2  }
0xb8: {  	s31 =	sshll.u32 s1, $0xD;
	s1 =	sshrl.u32 s1, $0x2  }
0xb9: {  	s3 =	sand.u32 $0x4000, s31;
	s1 =	sadd.s32 s1, s30  }
0xba: {  	s0 =	sor.u32 s3, s0;
	s1 =	sshll.u32 s1, $0x11  }
0xbb: {  	s0 =	sor.u32 s1, s0  }
0xbc: {  	s0 =	sadd.s32 $0x8F2B, s0  }
0xbd: {  	[sflag:s0] =	ssyncadd.remote.s32 $0x1  }
0xbe: {  	_ =	sfence.sel $0xFFFF  }
0xbf: {  	[dreg:$0x0] =	wrdreg $0xFFFFFFFF;
	(pc) =	sbr.abs _section_cstart, $3  }
0xc0: {  	[dreg:$0x1] =	wrdreg $0xFFFFFFFF  }
0xc1: {  	_ =	task.clear_ibuf [dreg:s7], $0x2FFFF;
	_ =	strace $0x9FFFFFFF  }
0xc2: {  	(tm) =	ssettm $0x7FFFFFFF  }
0xc3: {  	_ =	shalt  }
tec
execute0_lowered:
.L_overlay_start_1:
0x0: {  	(tag) =	ssettag $0x1  }
0x1: {  	s1 =	srdreg.scid  }
0x2: {  	s0 =	stileid.u32;
	s4 =	rddreg [dreg:$0x0]  }
0x3: {  	s5 =	rddreg [dreg:$0x1];
	s9 =	simm.s32 $0x6400;
	s10 =	simm.s32 $0x7D00  }
0x4: {  	s11 =	simm.s32 $0x1;
	s12 =	simm.s32 $0x2;
	s13 =	simm.s32 $0x9600  }
0x5: {  	s14 =	simm.s32 $0x0;
	s3 =	sand.u32 $0x1, s1;
	s30 =	sshll.u32 s0, $0x8  }
0x6: {  	s1 =	rddreg [dreg:$0x2];
	s2 =	sshll.u32 s3, $0x7;
	s8 =	ssub.s32 $0x2, s3  }
0x7: {  	s3 =	sadd.s32 $0xF42A00, s4;
	s6 =	sor.u32 s2, s30;
	s2 =	simm.s32 $0x0  }
0x8: {  	s31 =	sshrl.u32 s8, $0x1;
	s7 =	smul.u32 $0x19, s6;
	[smem:$0x7FF] =	sst s2  }
0x9: {  	s6 =	sshll.u32 s6, $0x2;
	s8 =	ssub.s32 s8, s31;
	_ =	strace $0x80000047  }
0xa: {  	s5 =	sadd.s32 s5, s6;
	s6 =	smax.u32 s8, $0x1;
	s7 =	sadd.s32 s7, s4  }
0xb: {  	vm0 =	vcmask $0x3F20;
	s8 =	simm.s32 $0xC8;
	s4 =	sadd.s32 $0x600, s7;
	s7 =	simm.s32 $0x3  }
.LBB2_1:
0xc: {  	[tilespmem:s2], [sflag:$0x3] =	stream.linear.gather [hbm4b:s4+s2], $0x6400, $0x38;
	[tilespmem:$0xA600] =	vst v63  }
0xd: {  	_ =	swait.ge [sflag:s7], $0x6400  }
0xe: {  	[sflag:s7] =	ssyncset.done $0x0  }
0xf: {  	[sflag:s7] =	ssyncadd.s32 $0xFFFF9C00  }
0x10: {  	[tilespmem:s9], [sflag:$0x1] =	stream.indirect.gather [hbm4b:s3+s8], $0x20, s2, s8, $0xb8;
	[tilespmem:$0xA600] =	vst v63  }
0x11: {  	s15 =	simm.s32 $0x0  }
0x12: {  	[tilespmem:s10], [sflag:$0x2] =	stream.indirect.gather [hbm4b:s3+s8], $0x20, s8, s8, $0xb8;
	[tilespmem:$0xA600] =	vst v63  }
.LBB2_2:
0x13: {  	s16 =	smul.u32 $0x640, s15;
	_ =	sdelay $0x1  }
0x14: {  	s16 =	sshra.s32 s16, $0x2  }
0x15: {  	v0 =	vld [tilespmem:s16+$0x0]  }
0x16: {  	v1 =	vld [tilespmem:s16+$0x10]  }
0x17: {  	v2 =	vld [tilespmem:s16+$0x20]  }
0x18: {  	v3 =	vld [tilespmem:s16+$0x30]  }
0x19: {  	v5 =	vld [tilespmem:s16+$0x40]  }
0x1a: {  	v6 =	vld [tilespmem:s16+$0x50]  }
0x1b: {  	v8 =	vld [tilespmem:s16+$0x60]  }
0x1c: {  	v9 =	vld [tilespmem:s16+$0x70]  }
0x1d: {  	v10 =	vld [tilespmem:s16+$0x80]  }
0x1e: {  	v11 =	vld [tilespmem:s16+$0x90]  }
0x1f: {  	v12 =	vld [tilespmem:s16+$0xA0]  }
0x20: {  	v14 =	vld [tilespmem:s16+$0xB0]  }
0x21: {  	v15 =	vld [tilespmem:s16+$0xB8];
	_ =	swait.ge [sflag:s11], $0x1900  }
0x22: {  	[sflag:s11] =	ssyncset.done $0x0  }
0x23: {  	s18 =	simm.s32 $0x0;
	[sflag:s11] =	ssyncadd.s32 $0xFFFFE700  }
0x24: {  	v13 =	vld [tilespmem:s18+$0x6410]  }
0x25: {  	v16 =	vld [tilespmem:s18+$0x6430]  }
0x26: {  	v17 =	vld [tilespmem:s18+$0x6450]  }
0x27: {  	v18 =	vld [tilespmem:s18+$0x6470]  }
0x28: {  	v19 =	vld [tilespmem:s18+$0x6490]  }
0x29: {  	v20 =	vld [tilespmem:s18+$0x64B0]  }
0x2a: {  	v21 =	vld [tilespmem:s18+$0x64D0]  }
0x2b: {  	v22 =	vld [tilespmem:s18+$0x64F0]  }
0x2c: {  	v23 =	vld [tilespmem:s18+$0x6400]  }
0x2d: {  	v24 =	vld [tilespmem:s18+$0x6420];
	vm1 =	vne.s32 v0, $0x0  }
0x2e: {  	v25 =	vld [tilespmem:s18+$0x6480];
	v0 =	vmpcnt.ones.xlane vm1;
	vm1 =	vne.s32 v1, $0x0  }
0x2f: {  	v26 =	vld [tilespmem:s18+$0x64A0];
	vm2 =	vne.s32 v2, $0x0;
	v1 =	vmpcnt.ones.xlane vm1;
	vm1 =	vne.s32 v3, $0x0  }
0x30: {  	v2 =	vmpcnt.ones.xlane vm2;
	vm2 =	vne.s32 v6, $0x0;
	v4 =	vmpcnt.ones.xlane vm1  }
0x31: {  	v27 =	vld [tilespmem:s18+$0x64C0];
	vm1 =	vne.s32 v5, $0x0;
	v5 =	vmpcnt.ones.xlane vm2;
	v16 =	vadd.f32 v16, v13  }
0x32: {  	v6 =	vld [tilespmem:s18+$0x6460];
	v17 =	vadd.f32 v18, v17;
	vm2 =	vne.s32 v11, $0x0;
	v18 =	vadd.f32 v20, v19  }
0x33: {  	v3 =	vld [tilespmem:s18+$0x6440];
	v19 =	vadd.f32 v22, v21;
	v7 =	vmpcnt.ones.xlane vm1;
	vm1 =	vne.s32 v8, $0x0  }
0x34: {  	s17 =	simm.s32 $0x100;
	v20 =	vld [tilespmem:s18+$0x64E0];
	v22 =	vadd.f32 v24, v23;
	v62 =	vadd.f32 v26, v25;
	v8 =	vmpcnt.ones.xlane vm1  }
0x35: {  	v13 =	vld [tilespmem:s17+$0x6410];
	vm1 =	vne.s32 v9, $0x0;
	v21 =	vadd.f32 v17, v16;
	v18 =	vadd.f32 v19, v18  }
0x36: {  	v16 =	vld [tilespmem:s17+$0x6430];
	v9 =	vmpcnt.ones.xlane vm1;
	vm1 =	vne.s32 v10, $0x0;
	v10 =	vmpcnt.ones.xlane vm2  }
0x37: {  	v17 =	vld [tilespmem:s17+$0x6450];
	vm2 =	vne.s32 v15, $0x0;
	v11 =	vmpcnt.ones.xlane vm1;
	vm1 =	vne.s32 v12, $0x0  }
0x38: {  	v19 =	vld [tilespmem:s17+$0x6470];
	v23 =	vadd.f32 v6, v3;
	v3 =	vadd.f32 v18, v21;
	v6 =	vimm.f32 $0.0e+00  }
0x39: {  	v18 =	vld [tilespmem:s17+$0x6490];
	v12 =	vmpcnt.ones.xlane vm1;
	vm1 =	vne.s32 v14, $0x0;
	v63 =	vadd.f32 v20, v27  }
0x3a: {  	v21 =	vld [tilespmem:s17+$0x64D0];
	v14 =	vmpcnt.ones.xlane vm1;
	vm1 =	vmand vm2, vm0;
	v3 =	vadd.f32 v3, v6  }
0x3b: {  	s18 =	simm.s32 $0x800;
	v20 =	vld [tilespmem:s17+$0x64B0];
	v22 =	vadd.f32 v23, v22;
	v15 =	vmpcnt.ones.xlane vm1;
	v23 =	vadd.f32 v63, v62  }
.LBB2_3:
0x3c: {  	p0 =	sne.s32 s18, $0x6000;
	v24 =	vld [tilespmem:s17+$0x64F0]  }
0x3d: {  	v25 =	vld [tilespmem:s17+$0x6400];
	v22 =	vadd.f32 v23, v22  }
0x3e: {  	v23 =	vld [tilespmem:s17+$0x6420]  }
0x3f: {  	v26 =	vld [tilespmem:s17+$0x6440];
	v6 =	vadd.f32 v22, v6  }
0x40: {  	v13 =	vadd.f32 v16, v13;
	v16 =	vadd.f32 v19, v17;
	v22 =	vld [tilespmem:s17+$0x6460]  }
0x41: {  	v17 =	vadd.f32 v20, v18;
	v19 =	vld [tilespmem:s17+$0x6480];
	v18 =	vadd.f32 v24, v21  }
0x42: {  	v20 =	vld [tilespmem:s17+$0x64A0]  }
0x43: {  	v16 =	vadd.f32 v16, v13;
	v21 =	vld [tilespmem:s17+$0x64C0];
	v17 =	vadd.f32 v18, v17  }
0x44: {  	v18 =	vadd.f32 v23, v25;
	v24 =	vld [tilespmem:s17+$0x64E0];
	s17 =	sshra.s32 s18, $0x2  }
0x45: {  	v13 =	vld [tilespmem:s17+$0x6410];
	v22 =	vadd.f32 v22, v26;
	v23 =	vadd.f32 v17, v16  }
0x46: {  	v16 =	vld [tilespmem:s17+$0x6430]  }
.Ltmp0:
0x47: {  	v17 =	vld [tilespmem:s17+$0x6450];
	v25 =	vadd.f32 v20, v19;
	v3 =	vadd.f32 v23, v3;
	(pc) =	sbr.rel @p0 .LBB2_3-.Ltmp0, $4  }
0x48: {  	v22 =	vadd.f32 v22, v18;
	v19 =	vld [tilespmem:s17+$0x6470]  }
0x49: {  	v18 =	vld [tilespmem:s17+$0x6490];
	v23 =	vadd.f32 v24, v21  }
0x4a: {  	v20 =	vld [tilespmem:s17+$0x64B0]  }
0x4b: {  	s18 =	sadd.s32 $0x400, s18;
	v21 =	vld [tilespmem:s17+$0x64D0];
	v23 =	vadd.f32 v23, v25  }
0x4c: {  	v0 =	vadd.s32 v0, v1  }
0x4d: {  	v0 =	vadd.s32 v2, v0  }
0x4e: {  	v0 =	vadd.s32 v4, v0  }
0x4f: {  	v0 =	vadd.s32 v7, v0  }
0x50: {  	v1 =	vld [tilespmem:s17+$0x6400];
	v0 =	vadd.s32 v5, v0  }
0x51: {  	v2 =	vld [tilespmem:s17+$0x6420];
	v0 =	vadd.s32 v8, v0  }
0x52: {  	v4 =	vld [tilespmem:s17+$0x6440];
	v0 =	vadd.s32 v9, v0  }
0x53: {  	v7 =	vld [tilespmem:s17+$0x6480];
	v0 =	vadd.s32 v11, v0  }
0x54: {  	v5 =	vld [tilespmem:s17+$0x6460];
	v0 =	vadd.s32 v10, v0  }
0x55: {  	v8 =	vld [tilespmem:s17+$0x64A0];
	v0 =	vadd.s32 v12, v0  }
0x56: {  	v9 =	vld [tilespmem:s17+$0x64C0];
	v0 =	vadd.s32 v14, v0  }
0x57: {  	v10 =	vld [tilespmem:s17+$0x64E0];
	v0 =	vadd.s32 v15, v0  }
0x58: {  	v11 =	vld [tilespmem:s17+$0x64F0];
	v0 =	vcvt.s32.f32 v0  }
0x59: {  	v13 =	vadd.f32 v16, v13  }
0x5a: {  	v12 =	vadd.f32 v23, v22;
	v14 =	vadd.f32 v19, v17;
	(erf) = vrcp.f32 v0  }
0x5b: {  	v0 =	vadd.f32 v2, v1;
	v1 =	vadd.f32 v5, v4  }
0x5c: {  	v2 =	vadd.f32 v8, v7;
	v4 =	vadd.f32 v10, v9  }
0x5d: {  	v5 =	vadd.f32 v20, v18;
	v7 =	vadd.f32 v11, v21  }
0x5e: {  	v0 =	vadd.f32 v1, v0;
	v1 =	vadd.f32 v4, v2  }
0x5f: {  	v2 =	vadd.f32 v14, v13;
	v4 =	vadd.f32 v7, v5  }
0x60: {  	v5 =	vadd.f32 v12, v6;
	v0 =	vadd.f32 v1, v0  }
0x61: {  	s26 =	sshll.u32 s15, $0x1;
	p0 =	seq.s32 s15, $0x3F;
	v1 =	vadd.f32 v4, v2  }
0x62: {  	s18 =	sadd.s32 @!p0 $0x190, s16;
	s19 =	simm.s32 @!p0 $0xC8;
	s20 =	simm.s32 @!p0 $0x6400;
	v0 =	vadd.f32 v0, v5  }
0x63: {  	[tilespmem:s20], [sflag:$0x1] =	stream.indirect.gather @!p0 [hbm4b:s3+s19], $0x20, s18, s19, $0xb8;
	v1 =	vadd.f32 v1, v3;
	v2 =	vpop (erf);
	[tilespmem:$0xA600] =	vst v63  }
0x64: {  	s28 =	sshll.u32 s15, $0x6;
	s17 =	sor.u32 $0x1, s26;
	v0 =	vmul.f32 v0, v2  }
0x65: {  	s18 =	sand.u32 $0x3FFFFFC0, s28;
	s29 =	smul.u32 $0x320, s17;
	v1 =	vmul.f32 v1, v2  }
0x66: {  	[tilespmem:s18+$0x9600] =	vst v0  }
0x67: {  	s30 =	sshra.s32 s29, $0x2;
	[tilespmem:s18+$0x9610] =	vst v1  }
0x68: {  	v0 =	vld [tilespmem:s30+$0x0]  }
0x69: {  	v1 =	vld [tilespmem:s30+$0x10]  }
0x6a: {  	v2 =	vld [tilespmem:s30+$0x20]  }
0x6b: {  	v3 =	vld [tilespmem:s30+$0x30]  }
0x6c: {  	v4 =	vld [tilespmem:s30+$0x40]  }
0x6d: {  	v5 =	vld [tilespmem:s30+$0x50]  }
0x6e: {  	v7 =	vld [tilespmem:s30+$0x60]  }
0x6f: {  	v8 =	vld [tilespmem:s30+$0x70]  }
0x70: {  	v10 =	vld [tilespmem:s30+$0x80]  }
0x71: {  	v11 =	vld [tilespmem:s30+$0x90]  }
0x72: {  	v12 =	vld [tilespmem:s30+$0xA0]  }
0x73: {  	v14 =	vld [tilespmem:s30+$0xB0]  }
0x74: {  	v15 =	vld [tilespmem:s30+$0xB8];
	_ =	swait.ge [sflag:s12], $0x1900  }
0x75: {  	[sflag:s12] =	ssyncset.done $0x0  }
0x76: {  	s31 =	simm.s32 $0x0;
	[sflag:s12] =	ssyncadd.s32 $0xFFFFE700  }
0x77: {  	v13 =	vld [tilespmem:s31+$0x7D10]  }
0x78: {  	v16 =	vld [tilespmem:s31+$0x7D30]  }
0x79: {  	v17 =	vld [tilespmem:s31+$0x7D50]  }
0x7a: {  	v18 =	vld [tilespmem:s31+$0x7D70]  }
0x7b: {  	v19 =	vld [tilespmem:s31+$0x7D90]  }
0x7c: {  	v20 =	vld [tilespmem:s31+$0x7DB0]  }
0x7d: {  	v21 =	vld [tilespmem:s31+$0x7DD0]  }
0x7e: {  	v22 =	vld [tilespmem:s31+$0x7DF0]  }
0x7f: {  	v23 =	vld [tilespmem:s31+$0x7D00];
	vm1 =	vne.s32 v0, $0x0  }
0x80: {  	v24 =	vld [tilespmem:s31+$0x7D20];
	vm2 =	vne.s32 v1, $0x0;
	v0 =	vmpcnt.ones.xlane vm1  }
0x81: {  	v26 =	vld [tilespmem:s31+$0x7D80];
	v1 =	vmpcnt.ones.xlane vm2;
	vm1 =	vne.s32 v2, $0x0;
	vm2 =	vne.s32 v4, $0x0  }
0x82: {  	v27 =	vld [tilespmem:s31+$0x7DA0];
	v2 =	vmpcnt.ones.xlane vm1;
	vm1 =	vne.s32 v3, $0x0;
	v4 =	vmpcnt.ones.xlane vm2  }
0x83: {  	v25 =	vld [tilespmem:s31+$0x7D40];
	vm2 =	vne.s32 v8, $0x0;
	v3 =	vmpcnt.ones.xlane vm1;
	vm1 =	vne.s32 v5, $0x0  }
0x84: {  	v28 =	vld [tilespmem:s31+$0x7DC0];
	v6 =	vmpcnt.ones.xlane vm1;
	vm1 =	vne.s32 v7, $0x0;
	v7 =	vadd.f32 v16, v13  }
0x85: {  	v5 =	vld [tilespmem:s31+$0x7D60];
	v8 =	vmpcnt.ones.xlane vm2;
	v16 =	vadd.f32 v18, v17;
	v17 =	vadd.f32 v20, v19  }
0x86: {  	s18 =	simm.s32 $0x100;
	vm2 =	vne.s32 v11, $0x0;
	v18 =	vadd.f32 v22, v21;
	v20 =	vld [tilespmem:s31+$0x7DE0];
	v21 =	vadd.f32 v24, v23  }
0x87: {  	v13 =	vld [tilespmem:s18+$0x7D10];
	v23 =	vadd.f32 v27, v26;
	v9 =	vmpcnt.ones.xlane vm1;
	vm1 =	vne.s32 v10, $0x0  }
0x88: {  	v19 =	vld [tilespmem:s18+$0x7D70];
	v10 =	vmpcnt.ones.xlane vm2;
	v7 =	vadd.f32 v16, v7;
	v18 =	vadd.f32 v18, v17  }
0x89: {  	vm2 =	vne.s32 v15, $0x0;
	v11 =	vmpcnt.ones.xlane vm1;
	vm1 =	vne.s32 v12, $0x0;
	v16 =	vld [tilespmem:s18+$0x7D30]  }
0x8a: {  	v17 =	vld [tilespmem:s18+$0x7D50];
	v12 =	vmpcnt.ones.xlane vm1;
	v22 =	vadd.f32 v5, v25;
	v5 =	vadd.f32 v18, v7  }
0x8b: {  	vm1 =	vne.s32 v14, $0x0;
	v7 =	vimm.f32 $0.0e+00;
	v18 =	vld [tilespmem:s18+$0x7D90];
	v63 =	vadd.f32 v20, v28  }
0x8c: {  	v14 =	vmpcnt.ones.xlane vm1;
	vm1 =	vmand vm2, vm0;
	v20 =	vld [tilespmem:s18+$0x7DB0];
	v5 =	vadd.f32 v5, v7  }
0x8d: {  	s19 =	simm.s32 $0x800;
	v15 =	vmpcnt.ones.xlane vm1;
	v22 =	vadd.f32 v22, v21;
	v21 =	vld [tilespmem:s18+$0x7DD0];
	v23 =	vadd.f32 v63, v23  }
.LBB2_5:
0x8e: {  	p1 =	sne.s32 s19, $0x6000;
	v24 =	vld [tilespmem:s18+$0x7DF0]  }
0x8f: {  	v25 =	vld [tilespmem:s18+$0x7D00];
	v22 =	vadd.f32 v23, v22  }
0x90: {  	v23 =	vld [tilespmem:s18+$0x7D20]  }
0x91: {  	v26 =	vld [tilespmem:s18+$0x7D40];
	v7 =	vadd.f32 v22, v7  }
0x92: {  	v13 =	vadd.f32 v16, v13;
	v16 =	vadd.f32 v19, v17;
	v22 =	vld [tilespmem:s18+$0x7D60]  }
0x93: {  	v17 =	vadd.f32 v20, v18;
	v19 =	vld [tilespmem:s18+$0x7D80];
	v18 =	vadd.f32 v24, v21  }
0x94: {  	v20 =	vld [tilespmem:s18+$0x7DA0]  }
0x95: {  	v16 =	vadd.f32 v16, v13;
	v21 =	vld [tilespmem:s18+$0x7DC0];
	v17 =	vadd.f32 v18, v17  }
0x96: {  	v18 =	vadd.f32 v23, v25;
	v24 =	vld [tilespmem:s18+$0x7DE0];
	s18 =	sshra.s32 s19, $0x2  }
0x97: {  	v13 =	vld [tilespmem:s18+$0x7D10];
	v22 =	vadd.f32 v22, v26;
	v23 =	vadd.f32 v17, v16  }
0x98: {  	v16 =	vld [tilespmem:s18+$0x7D30]  }
.Ltmp1:
0x99: {  	v17 =	vld [tilespmem:s18+$0x7D50];
	v25 =	vadd.f32 v20, v19;
	v5 =	vadd.f32 v23, v5;
	(pc) =	sbr.rel @p1 .LBB2_5-.Ltmp1, $4  }
0x9a: {  	v22 =	vadd.f32 v22, v18;
	v19 =	vld [tilespmem:s18+$0x7D70]  }
0x9b: {  	v18 =	vld [tilespmem:s18+$0x7D90];
	v23 =	vadd.f32 v24, v21  }
0x9c: {  	v20 =	vld [tilespmem:s18+$0x7DB0]  }
0x9d: {  	s19 =	sadd.s32 $0x400, s19;
	v21 =	vld [tilespmem:s18+$0x7DD0];
	v23 =	vadd.f32 v23, v25  }
0x9e: {  	v0 =	vadd.s32 v0, v1  }
0x9f: {  	v0 =	vadd.s32 v2, v0  }
0xa0: {  	v0 =	vadd.s32 v3, v0  }
0xa1: {  	v0 =	vadd.s32 v4, v0  }
0xa2: {  	v41 =	vld [tilespmem:s18+$0x7D00];
	v0 =	vadd.s32 v6, v0  }
0xa3: {  	v42 =	vld [tilespmem:s18+$0x7D20];
	v0 =	vadd.s32 v9, v0  }
0xa4: {  	v43 =	vld [tilespmem:s18+$0x7D40];
	v0 =	vadd.s32 v8, v0  }
0xa5: {  	v44 =	vld [tilespmem:s18+$0x7D60];
	v0 =	vadd.s32 v11, v0  }
0xa6: {  	v45 =	vld [tilespmem:s18+$0x7D80];
	v0 =	vadd.s32 v10, v0  }
0xa7: {  	v46 =	vld [tilespmem:s18+$0x7DA0];
	v0 =	vadd.s32 v12, v0  }
0xa8: {  	v47 =	vld [tilespmem:s18+$0x7DC0];
	v0 =	vadd.s32 v14, v0  }
0xa9: {  	v48 =	vld [tilespmem:s18+$0x7DE0];
	v0 =	vadd.s32 v15, v0  }
0xaa: {  	v49 =	vld [tilespmem:s18+$0x7DF0];
	v0 =	vcvt.s32.f32 v0  }
0xab: {  	v13 =	vadd.f32 v16, v13  }
0xac: {  	v50 =	vadd.f32 v23, v22;
	v51 =	vadd.f32 v19, v17;
	(erf) = vrcp.f32 v0  }
0xad: {  	v52 =	vadd.f32 v42, v41;
	v53 =	vadd.f32 v44, v43  }
0xae: {  	v54 =	vadd.f32 v46, v45;
	v55 =	vadd.f32 v48, v47  }
0xaf: {  	v56 =	vadd.f32 v20, v18;
	v57 =	vadd.f32 v49, v21  }
0xb0: {  	v58 =	vadd.f32 v55, v54;
	v0 =	vadd.f32 v53, v52  }
0xb1: {  	s16 =	sadd.s32 @!p0 $0x258, s16;
	v59 =	vadd.f32 v51, v13;
	v60 =	vadd.f32 v57, v56  }
0xb2: {  	s18 =	simm.s32 @!p0 $0xC8;
	s19 =	simm.s32 @!p0 $0x7D00;
	s15 =	sadd.s32 $0x1, s15;
	v61 =	vadd.f32 v50, v7;
	v0 =	vadd.f32 v58, v0  }
0xb3: {  	[tilespmem:s19], [sflag:$0x2] =	stream.indirect.gather @!p0 [hbm4b:s3+s18], $0x20, s16, s18, $0xb8;
	v62 =	vadd.f32 v60, v59;
	[tilespmem:$0xA600] =	vst v63  }
0xb4: {  	p0 =	sne.s32 s15, $0x40;
	v0 =	vadd.f32 v0, v61  }
.Ltmp2:
0xb5: {  	v1 =	vadd.f32 v62, v5;
	v63 =	vpop (erf);
	(pc) =	sbr.rel @p0 .LBB2_2-.Ltmp2, $4  }
0xb6: {  	s31 =	sshll.u32 s17, $0x5;
	v0 =	vmul.f32 v0, v63  }
0xb7: {  	s16 =	sand.u32 $0x3FFFFFE0, s31;
	v1 =	vmul.f32 v1, v63  }
0xb8: {  	[tilespmem:s16+$0x9600] =	vst v0  }
0xb9: {  	[tilespmem:s16+$0x9610] =	vst v1  }
0xba: {  	s14 =	sadd.s32 $0x1, s14  }
0xbb: {  	p0 =	sne.s32 s14, s6  }
.Ltmp3:
0xbc: {  	_ = 	snop;
	(pc) =	sbr.rel @p0 .LBB2_1-.Ltmp3, $4  }
0xbd: {  	[hbm4b:s5+s2] =	stream.linear.scatter [tilespmem:s13], [sflag:$0x3], $0x1000, $0x38;
	[tilespmem:$0xA600] =	vst v63  }
0xbe: {  	_ =	swait.ge [sflag:s7], $0x1000  }
0xbf: {  	[sflag:s7] =	ssyncset.done $0x0  }
0xc0: {  	[sflag:s7] =	ssyncadd.s32 $0xFFFFF000  }
0xc1: {  	_ =	sfence.sel $0x180000  }
0xc2: {  	[bflag:$0x0] =	sbarrier.arrive $0xFFFF  }
0xc3: {  	p0 =	sne.s32 s0, $0x0;
	_ =	strace $0x90000047  }
0xc4: {  	s0 =	sadd.s32 @!p0 $0x100000, s1;
	[bflag:$0x2] =	sbarrier.arrive $0xFFFF  }
0xc5: {  	[sflag:s0] =	ssyncadd.tile.s32 @!p0 $0x1;
	_ =	shalt  }
.Lfunc_end2:
_tile_overlayer_lowered:
.L_overlay_start_2:
0xc6: {  	(tag) =	ssettag $0x2  }
0xc7: {  	s0 =	rddreg [dreg:$0x0];
	s2 =	stileid.u32  }
0xc8: {  	s1 =	rddreg [dreg:$0x1];
	p0 =	sne.s32 s2, $0x0  }
0xc9: {  	s3 =	rddreg [dreg:$0x2];
	[bflag:$0x3] =	sbarrier.arrive $0xFFFF;
	s2 =	simm.s32 @!p0 $0x1C03  }
0xca: {  	[timem:s3], [sflag:s2] =	dma.local @!p0 [hbm:s0], s1  }
0xcb: {  	s0 =	simm.s32 @!p0 $0x3  }
0xcc: {  	_ =	swait.ge @!p0 [sflag:s0], s1  }
0xcd: {  	s1 =	ssub.s32 @!p0 $0x0, s1;
	[sflag:s0] =	ssyncset.done @!p0 $0x0  }
0xce: {  	[sflag:s0] =	ssyncadd.s32 @!p0 s1  }
0xcf: {  	[bflag:$0x3] =	sbarrier.arrive $0xFFFF  }
0xd0: {  	_ =	shalt  }

</sc_bundles>
